<compile_context>
chip_gen: v7x
topology: tpu7x:2x2x1
jax: 0.10.2.dev20260603
libtpu: 0.0.44.dev20260713+nightly
codegen_flags: <defaults>
</compile_context>

<pallas_src>
import jax
import jax.numpy as jnp
from jax import lax
from jax.experimental import pallas as pl
from jax.experimental.pallas import tpu as pltpu
from jax.experimental.pallas import tpu_sc as plsc

N = 50000
E = 800000
DIM = 64
HALF = 32

SB = 128
E_PAD = 819200
SUBB = E_PAD // SB
HQ = E_PAD // 4
NSC = 2
NSUB = 16
R = SUBB // NSUB
CH = 16
N_PAD = 50048
NODES_PER_SUB = N_PAD // NSUB

BK = 6400
BQ = BK // 4


def _mlp_body(rbft_ref, w1_ref, b1_ref, w2_ref, b2_ref, lo_ref, hi_ref):
    h = lax.dot_general(rbft_ref[...], w1_ref[...], (((0,), (0,)), ((), ())),
                        preferred_element_type=jnp.float32) + b1_ref[...]
    bx = 0.5 * h
    act = jnp.where(bx > 14.0, h,
                    2.0 * jnp.log1p(jnp.exp(jnp.minimum(bx, 14.0))))
    h2 = lax.dot_general(act, w2_ref[...], (((1,), (0,)), ((), ())),
                         preferred_element_type=jnp.float32) + b2_ref[...]
    lo_ref[...] = jnp.concatenate(
        [h2[t * BQ:(t + 1) * BQ, :HALF] for t in range(4)], axis=1)
    hi_ref[...] = jnp.concatenate(
        [h2[t * BQ:(t + 1) * BQ, HALF:] for t in range(4)], axis=1)


def _edge_mlp(rbf, W1, b1, W2, b2):
    grid = (E // BK,)
    return pl.pallas_call(
        _mlp_body,
        grid=grid,
        in_specs=[
            pl.BlockSpec((DIM, BK), lambda i: (0, i)),
            pl.BlockSpec((DIM, DIM), lambda i: (0, 0)),
            pl.BlockSpec((1, DIM), lambda i: (0, 0)),
            pl.BlockSpec((DIM, DIM), lambda i: (0, 0)),
            pl.BlockSpec((1, DIM), lambda i: (0, 0)),
        ],
        out_specs=[
            pl.BlockSpec((BQ, 4 * HALF), lambda i: (i, 0)),
            pl.BlockSpec((BQ, 4 * HALF), lambda i: (i, 0)),
        ],
        out_shape=[
            jax.ShapeDtypeStruct((HQ, 4 * HALF), jnp.float32),
            jax.ShapeDtypeStruct((HQ, 4 * HALF), jnp.float32),
        ],
    )(rbf.T, W1, b1.reshape(1, DIM), W2, b2.reshape(1, DIM))


def _mult_store(xr, hv):
    @pl.loop(0, SB // 4, unroll=4)
    def _(q):
        for t in range(4):
            k = q * 4 + t
            xr[k, pl.ds(0, 16)] = xr[k, pl.ds(0, 16)] * hv[q, pl.ds(t * 32, 16)]
            xr[k, pl.ds(16, 16)] = xr[k, pl.ds(16, 16)] * hv[q, pl.ds(t * 32 + 16, 16)]


def _sc_body(xlo_hbm, xhi_hbm, src_hbm, dst_hbm, hlo_hbm, hhi_hbm, out_hbm,
             acc, idx_s, idx_d, xr0, xr1, hv0, hv1,
             sx0, sx1, sh0, sh1):
    cid = lax.axis_index("c")
    sid = lax.axis_index("s")

    zeros16 = jnp.zeros((16,), jnp.float32)

    @pl.loop(0, SB)
    def _(k):
        xr0[k, pl.ds(0, 16)] = zeros16
        xr0[k, pl.ds(16, 16)] = zeros16

    acc_base = sid * NODES_PER_SUB

    @pl.loop(0, 24)
    def _(i):
        pltpu.sync_copy(xr0, acc.at[pl.ds(acc_base + i * SB, SB)])

    pltpu.sync_copy(xr0.at[pl.ds(0, 56)],
                    acc.at[pl.ds(acc_base + 24 * SB, 56)])

    plsc.subcore_barrier()

    xrs = (xr0, xr1)
    sxs = (sx0, sx1)
    hvs = (hv0, hv1)
    shs = (sh0, sh1)

    @pl.loop(0, R // CH)
    def _(ci):
        row0 = sid * R + ci * CH
        pltpu.sync_copy(src_hbm.at[pl.ds(row0, CH)], idx_s)
        pltpu.sync_copy(dst_hbm.at[pl.ds(row0, CH)], idx_d)

        def issue_x(j, slot):
            @pl.when(cid == 0)
            def _():
                pltpu.async_copy(xlo_hbm.at[idx_s.at[j]], xrs[slot], sxs[slot])

            @pl.when(cid == 1)
            def _():
                pltpu.async_copy(xhi_hbm.at[idx_s.at[j]], xrs[slot], sxs[slot])

        def issue_h(j, slot):
            @pl.when(cid == 0)
            def _():
                pltpu.async_copy(
                    hlo_hbm.at[pl.ds((row0 + j) * (SB // 4), SB // 4)],
                    hvs[slot], shs[slot])

            @pl.when(cid == 1)
            def _():
                pltpu.async_copy(
                    hhi_hbm.at[pl.ds((row0 + j) * (SB // 4), SB // 4)],
                    hvs[slot], shs[slot])

        issue_x(0, 0)
        issue_h(0, 0)

        @pl.loop(0, CH // 2)
        def _(jj):
            for b in range(2):
                j = jj * 2 + b
                xr_cur, sx_cur = xrs[b], sxs[b]
                hv_cur, sh_cur = hvs[b], shs[b]

                @pl.when(j + 1 < CH)
                def _():
                    issue_x(j + 1, 1 - b)
                    issue_h(j + 1, 1 - b)

                pltpu.make_async_copy(
                    xlo_hbm.at[idx_s.at[j]], xr_cur, sx_cur).wait()
                pltpu.make_async_copy(
                    hlo_hbm.at[pl.ds(0, SB // 4)], hv_cur, sh_cur).wait()

                _mult_store(xr_cur, hv_cur)

                pltpu.sync_copy(xr_cur, acc.at[idx_d.at[j]], add=True)

    plsc.subcore_barrier()

    pltpu.sync_copy(acc.at[pl.ds(acc_base, NODES_PER_SUB)],
                    out_hbm.at[cid, pl.ds(acc_base, NODES_PER_SUB)])


def _sc_aggregate(xlo, xhi, src2, dst2, hlo2, hhi2):
    mesh = plsc.VectorSubcoreMesh(core_axis_name="c", subcore_axis_name="s")
    f = pl.kernel(
        _sc_body,
        out_type=jax.ShapeDtypeStruct((NSC, N_PAD, HALF), jnp.float32),
        mesh=mesh,
        compiler_params=pltpu.CompilerParams(use_tc_tiling_on_sc=False),
        scratch_types=[
            pltpu.VMEM_SHARED((N_PAD, HALF), jnp.float32),
            pltpu.VMEM((CH, SB), jnp.int32),
            pltpu.VMEM((CH, SB), jnp.int32),
            pltpu.VMEM((SB, HALF), jnp.float32),
            pltpu.VMEM((SB, HALF), jnp.float32),
            pltpu.VMEM((SB // 4, 4 * HALF), jnp.float32),
            pltpu.VMEM((SB // 4, 4 * HALF), jnp.float32),
            pltpu.SemaphoreType.DMA,
            pltpu.SemaphoreType.DMA,
            pltpu.SemaphoreType.DMA,
            pltpu.SemaphoreType.DMA,
        ],
    )
    return f(xlo, xhi, src2, dst2, hlo2, hhi2)


def _pack_order(v, fill):
    vp = v.reshape(E // BK, 4, BQ).transpose(0, 2, 1).reshape(E)
    return jnp.concatenate(
        [vp, jnp.full((E_PAD - E,), fill, jnp.int32)]).reshape(SUBB, SB)


def kernel(x, edge_index, rbf, W1, b1, W2, b2):
    hlo2, hhi2 = _edge_mlp(rbf, W1, b1, W2, b2)
    src2 = _pack_order(edge_index[0], 0)
    dst2 = _pack_order(edge_index[1], N)
    out = _sc_aggregate(x[:, :HALF], x[:, HALF:], src2, dst2, hlo2, hhi2)
    return jnp.concatenate([out[0, :N], out[1, :N]], axis=1)

# --- scband reference (transcript-rebuilt; emitter-appended) ---
"""Pipeline reference for scband-cfconv-47614007443631 (READ-ONLY COPY).

The authoritative reference and input builder live on the scoring server;
editing this copy changes nothing except your own understanding.
"""

import jax, jax.numpy as jnp
import numpy as np

N = 50000
E = 800000
RBF_DIM = 64
DIM = 64


def shifted_softplus(x):
    # torch.nn.Softplus(beta=0.5, threshold=14)
    beta = 0.5
    threshold = 14.0
    bx = beta * x
    safe = jnp.minimum(bx, threshold)
    return jnp.where(bx > threshold, x, (1.0 / beta) * jnp.log1p(jnp.exp(safe)))


def setup_inputs(seed: int = 0) -> dict:
    key = jax.random.key(seed)
    k1, k2, k3, k4, k5, k6 = jax.random.split(key, 6)
    x = jax.random.normal(k1, (N, DIM), dtype=jnp.float32)
    edge_index = jax.random.randint(k2, (2, E), 0, N, dtype=jnp.int32)
    rbf = jax.random.uniform(k3, (E, RBF_DIM), dtype=jnp.float32)
    # Learned parameters for linear_layer1 (rbf_dim -> dim) and linear_layer2 (dim -> dim)
    W1 = jax.random.normal(k4, (RBF_DIM, DIM), dtype=jnp.float32) * (1.0 / np.sqrt(RBF_DIM))
    b1 = jnp.zeros((DIM,), dtype=jnp.float32)
    W2 = jax.random.normal(k5, (DIM, DIM), dtype=jnp.float32) * (1.0 / np.sqrt(DIM))
    b2 = jnp.zeros((DIM,), dtype=jnp.float32)
    return {"x": x, "edge_index": edge_index, "rbf": rbf, "W1": W1, "b1": b1, "W2": W2, "b2": b2}


def reference(x, edge_index, rbf, W1, b1, W2, b2):
    # update_edge: h = linear2(act(linear1(rbf)))
    h = rbf @ W1 + b1
    h = shifted_softplus(h)
    h = h @ W2 + b2
    # u_mul_e: gather source-node features, multiply by edge filter
    src = edge_index[0]
    dst = edge_index[1]
    msg = jnp.take(x, src, axis=0) * h
    # reduce: sum messages into destination nodes (scatter-add)
    out = jax.ops.segment_sum(msg, dst, num_segments=N)
    return out

if __name__ == "__main__":
    import jax
    _d = setup_inputs()
    print(jax.jit(kernel)(*tuple(_d.values())))

</pallas_src>

<mosaic_0001>
#map = affine_map<(d0, d1) -> (0, 0)>
#map1 = affine_map<(d0, d1) -> (0, 0, 0)>
module attributes {stable_mosaic.version = 14 : i64} {
  func.func @_sc_body(%arg0: i32, %arg1: i32, %arg2: memref<50000x32xf32, #tpu.memory_space<hbm>>, %arg3: memref<50000x32xf32, #tpu.memory_space<hbm>>, %arg4: memref<6400x128xi32, #tpu.memory_space<hbm>>, %arg5: memref<6400x128xi32, #tpu.memory_space<hbm>>, %arg6: memref<204800x128xf32, #tpu.memory_space<hbm>>, %arg7: memref<204800x128xf32, #tpu.memory_space<hbm>>, %arg8: memref<2x50048x32xf32, #tpu.memory_space<hbm>>, %arg9: memref<50048x32xf32, #tpu.memory_space<vmem_shared>>, %arg10: memref<16x128xi32, #tpu.memory_space<vmem>>, %arg11: memref<16x128xi32, #tpu.memory_space<vmem>>, %arg12: memref<128x32xf32, #tpu.memory_space<vmem>>, %arg13: memref<128x32xf32, #tpu.memory_space<vmem>>, %arg14: memref<32x128xf32, #tpu.memory_space<vmem>>, %arg15: memref<32x128xf32, #tpu.memory_space<vmem>>, %arg16: memref<!tpu.dma_semaphore, #tpu.memory_space<semaphore_mem>>, %arg17: memref<!tpu.dma_semaphore, #tpu.memory_space<semaphore_mem>>, %arg18: memref<!tpu.dma_semaphore, #tpu.memory_space<semaphore_mem>>, %arg19: memref<!tpu.dma_semaphore, #tpu.memory_space<semaphore_mem>>) attributes {dimension_semantics = [#tpu.dimension_semantics<core_parallel>, #tpu.dimension_semantics<subcore_parallel>], iteration_bounds = array<i64: 2, 16>, scalar_prefetch = 0 : i64, scratch_operands = 11 : i64, tpu.core_type = #tpu.core_type<sc_vector_subcore>, window_params = [{transform_indices = #map}, {transform_indices = #map}, {transform_indices = #map}, {transform_indices = #map}, {transform_indices = #map}, {transform_indices = #map}, {transform_indices = #map1}]} {
    %broadcast_in_dim3A = arith.constant 0.000000e+00 : f32
    %broadcast_in_dim3A_0 = vector.broadcast %broadcast_in_dim3A : f32 to vector<16xf32>
    %scan3A = arith.constant 0 : i32
    %scan3A_1 = arith.constant 128 : i32
    %scan3A_2 = arith.addi %scan3A, %scan3A_1 : i32
    %scan3A_3 = arith.constant 1 : i32
    scf.for %scan3A_18 = %scan3A to %scan3A_2 step %scan3A_3  : i32 {
      %mul3A_19 = arith.constant 1 : i32
      %mul3A_20 = arith.muli %scan3A_18, %mul3A_19 : i32
      %add3A_21 = arith.constant 0 : i32
      %add3A_22 = arith.addi %add3A_21, %mul3A_20 : i32
      %swap3A = arith.index_cast %add3A_22 : i32 to index
      %swap3A_23 = arith.constant 0 : index
      %swap3A_24 = tpu.vector_load %arg12[%swap3A, %swap3A_23] {strides = array<i32>} : memref<128x32xf32, #tpu.memory_space<vmem>>, vector<1x16xf32>,
      %swap3A_25 = vector.shape_cast %swap3A_24 : vector<1x16xf32> to vector<16xf32>
      %swap3A_26 = vector.shape_cast %broadcast_in_dim3A_0 : vector<16xf32> to vector<1x16xf32>
      tpu.vector_store %arg12[%swap3A, %swap3A_23], %swap3A_26 {strides = array<i32>} : memref<128x32xf32, #tpu.memory_space<vmem>>, vector<1x16xf32>,
      %swap3A_27 = arith.index_cast %add3A_22 : i32 to index
      %swap3A_28 = arith.constant 16 : index
      %swap3A_29 = tpu.vector_load %arg12[%swap3A_27, %swap3A_28] {strides = array<i32>} : memref<128x32xf32, #tpu.memory_space<vmem>>, vector<1x16xf32>,
      %swap3A_30 = vector.shape_cast %swap3A_29 : vector<1x16xf32> to vector<16xf32>
      %swap3A_31 = vector.shape_cast %broadcast_in_dim3A_0 : vector<16xf32> to vector<1x16xf32>
      tpu.vector_store %arg12[%swap3A_27, %swap3A_28], %swap3A_31 {strides = array<i32>} : memref<128x32xf32, #tpu.memory_space<vmem>>, vector<1x16xf32>,
    }
    %scan3A_4 = arith.constant 128 : i32
    %mul3A = arith.constant 3128 : i32
    %mul3A_5 = arith.muli %arg1, %mul3A : i32
    %scan3A_6 = arith.constant 0 : i32
    %scan3A_7 = arith.constant 24 : i32
    %scan3A_8 = arith.addi %scan3A_6, %scan3A_7 : i32
    %scan3A_9 = arith.constant 1 : i32
    scf.for %scan3A_18 = %scan3A_6 to %scan3A_8 step %scan3A_9  : i32 {
      %mul3A_19 = arith.constant 1 : i32
      %mul3A_20 = arith.muli %scan3A_18, %mul3A_19 : i32
      %add3A_21 = arith.constant 0 : i32
      %add3A_22 = arith.addi %add3A_21, %mul3A_20 : i32
      %mul3A_23 = arith.constant 128 : i32
      %mul3A_24 = arith.muli %add3A_22, %mul3A_23 : i32
      %add3A_25 = arith.addi %mul3A_5, %mul3A_24 : i32
      "tpu.region"() ({
        %run_scoped3A = tpu.sem_alloc : memref<!tpu.dma_semaphore, #tpu.memory_space<semaphore_mem>>
        %dma_start3A = arith.constant 0 : i32
        %dma_start3A_26 = tpu.memref_slice %arg9[%add3A_25, %dma_start3A] : memref<50048x32xf32, #tpu.memory_space<vmem_shared>> -> memref<128x32xf32, #tpu.memory_space<vmem_shared>>
        %dma_start3A_27 = arith.constant 0 : i32
        %dma_start3A_28 = tpu.memref_slice %arg9[%add3A_25, %dma_start3A_27] : memref<50048x32xf32, #tpu.memory_space<vmem_shared>> -> memref<128x32xf32, #tpu.memory_space<vmem_shared>>
        tpu.enqueue_dma source(%arg12 : memref<128x32xf32, #tpu.memory_space<vmem>>) target(%dma_start3A_28 : memref<128x32xf32, #tpu.memory_space<vmem_shared>>) target_semaphore(%run_scoped3A : memref<!tpu.dma_semaphore, #tpu.memory_space<semaphore_mem>>)
        %dma_wait3A = arith.constant 0 : i32
        %dma_wait3A_29 = tpu.memref_slice %arg9[%add3A_25, %dma_wait3A] : memref<50048x32xf32, #tpu.memory_space<vmem_shared>> -> memref<128x32xf32, #tpu.memory_space<vmem_shared>>
        %dma_wait3A_30 = arith.constant 0 : i32
        %dma_wait3A_31 = tpu.memref_slice %arg9[%add3A_25, %dma_wait3A_30] : memref<50048x32xf32, #tpu.memory_space<vmem_shared>> -> memref<128x32xf32, #tpu.memory_space<vmem_shared>>
        tpu.wait_dma2 semaphore(%run_scoped3A : memref<!tpu.dma_semaphore, #tpu.memory_space<semaphore_mem>>) src(%arg12 : memref<128x32xf32, #tpu.memory_space<vmem>>) dst(%dma_wait3A_31 : memref<128x32xf32, #tpu.memory_space<vmem_shared>>)
        tpu.yield
      }) : () -> ()
    }
    %scan3A_10 = arith.constant 24 : i32
    %add3A = arith.constant 3072 : i32
    %add3A_11 = arith.addi %mul3A_5, %add3A : i32
    "tpu.region"() ({
      %run_scoped3A = tpu.sem_alloc : memref<!tpu.dma_semaphore, #tpu.memory_space<semaphore_mem>>
      %dma_start3A = arith.constant 0 : i32
      %dma_start3A_18 = arith.constant 0 : i32
      %dma_start3A_19 = tpu.memref_slice %arg12[%dma_start3A, %dma_start3A_18] : memref<128x32xf32, #tpu.memory_space<vmem>> -> memref<56x32xf32, #tpu.memory_space<vmem>>
      %dma_start3A_20 = arith.constant 0 : i32
      %dma_start3A_21 = tpu.memref_slice %arg9[%add3A_11, %dma_start3A_20] : memref<50048x32xf32, #tpu.memory_space<vmem_shared>> -> memref<56x32xf32, #tpu.memory_space<vmem_shared>>
      %dma_start3A_22 = arith.constant 0 : i32
      %dma_start3A_23 = tpu.memref_slice %arg9[%add3A_11, %dma_start3A_22] : memref<50048x32xf32, #tpu.memory_space<vmem_shared>> -> memref<56x32xf32, #tpu.memory_space<vmem_shared>>
      %dma_start3A_24 = arith.constant 0 : i32
      %dma_start3A_25 = arith.constant 0 : i32
      %dma_start3A_26 = tpu.memref_slice %arg12[%dma_start3A_24, %dma_start3A_25] : memref<128x32xf32, #tpu.memory_space<vmem>> -> memref<56x32xf32, #tpu.memory_space<vmem>>
      tpu.enqueue_dma source(%dma_start3A_26 : memref<56x32xf32, #tpu.memory_space<vmem>>) target(%dma_start3A_23 : memref<56x32xf32, #tpu.memory_space<vmem_shared>>) target_semaphore(%run_scoped3A : memref<!tpu.dma_semaphore, #tpu.memory_space<semaphore_mem>>)
      %dma_wait3A = arith.constant 0 : i32
      %dma_wait3A_27 = arith.constant 0 : i32
      %dma_wait3A_28 = tpu.memref_slice %arg12[%dma_wait3A, %dma_wait3A_27] : memref<128x32xf32, #tpu.memory_space<vmem>> -> memref<56x32xf32, #tpu.memory_space<vmem>>
      %dma_wait3A_29 = arith.constant 0 : i32
      %dma_wait3A_30 = tpu.memref_slice %arg9[%add3A_11, %dma_wait3A_29] : memref<50048x32xf32, #tpu.memory_space<vmem_shared>> -> memref<56x32xf32, #tpu.memory_space<vmem_shared>>
      %dma_wait3A_31 = arith.constant 0 : i32
      %dma_wait3A_32 = tpu.memref_slice %arg9[%add3A_11, %dma_wait3A_31] : memref<50048x32xf32, #tpu.memory_space<vmem_shared>> -> memref<56x32xf32, #tpu.memory_space<vmem_shared>>
      %dma_wait3A_33 = arith.constant 0 : i32
      %dma_wait3A_34 = arith.constant 0 : i32
      %dma_wait3A_35 = tpu.memref_slice %arg12[%dma_wait3A_33, %dma_wait3A_34] : memref<128x32xf32, #tpu.memory_space<vmem>> -> memref<56x32xf32, #tpu.memory_space<vmem>>
      tpu.wait_dma2 semaphore(%run_scoped3A : memref<!tpu.dma_semaphore, #tpu.memory_space<semaphore_mem>>) src(%dma_wait3A_35 : memref<56x32xf32, #tpu.memory_space<vmem>>) dst(%dma_wait3A_32 : memref<56x32xf32, #tpu.memory_space<vmem_shared>>)
      tpu.yield
    }) : () -> ()
    %barrier3A = arith.constant 0 : index
    tpu.barrier barrier_id(%barrier3A)
    %scan3A_12 = arith.constant 0 : i32
    %scan3A_13 = arith.constant 25 : i32
    %scan3A_14 = arith.addi %scan3A_12, %scan3A_13 : i32
    %scan3A_15 = arith.constant 1 : i32
    scf.for %scan3A_18 = %scan3A_12 to %scan3A_14 step %scan3A_15  : i32 {
      %mul3A_19 = arith.constant 1 : i32
      %mul3A_20 = arith.muli %scan3A_18, %mul3A_19 : i32
      %add3A_21 = arith.constant 0 : i32
      %add3A_22 = arith.addi %add3A_21, %mul3A_20 : i32
      %mul3A_23 = arith.constant 400 : i32
      %mul3A_24 = arith.muli %arg1, %mul3A_23 : i32
      %mul3A_25 = arith.constant 16 : i32
      %mul3A_26 = arith.muli %add3A_22, %mul3A_25 : i32
      %add3A_27 = arith.addi %mul3A_24, %mul3A_26 : i32
      "tpu.region"() ({
        %run_scoped3A = tpu.sem_alloc : memref<!tpu.dma_semaphore, #tpu.memory_space<semaphore_mem>>
        %dma_start3A = arith.constant 0 : i32
        %dma_start3A_50 = tpu.memref_slice %arg4[%add3A_27, %dma_start3A] : memref<6400x128xi32, #tpu.memory_space<hbm>> -> memref<16x128xi32, #tpu.memory_space<hbm>>
        %dma_start3A_51 = arith.constant 0 : i32
        %dma_start3A_52 = tpu.memref_slice %arg4[%add3A_27, %dma_start3A_51] : memref<6400x128xi32, #tpu.memory_space<hbm>> -> memref<16x128xi32, #tpu.memory_space<hbm>>
        tpu.enqueue_dma source(%dma_start3A_52 : memref<16x128xi32, #tpu.memory_space<hbm>>) target(%arg10 : memref<16x128xi32, #tpu.memory_space<vmem>>) target_semaphore(%run_scoped3A : memref<!tpu.dma_semaphore, #tpu.memory_space<semaphore_mem>>)
        %dma_wait3A = arith.constant 0 : i32
        %dma_wait3A_53 = tpu.memref_slice %arg4[%add3A_27, %dma_wait3A] : memref<6400x128xi32, #tpu.memory_space<hbm>> -> memref<16x128xi32, #tpu.memory_space<hbm>>
        %dma_wait3A_54 = arith.constant 0 : i32
        %dma_wait3A_55 = tpu.memref_slice %arg4[%add3A_27, %dma_wait3A_54] : memref<6400x128xi32, #tpu.memory_space<hbm>> -> memref<16x128xi32, #tpu.memory_space<hbm>>
        tpu.wait_dma2 semaphore(%run_scoped3A : memref<!tpu.dma_semaphore, #tpu.memory_space<semaphore_mem>>) src(%dma_wait3A_55 : memref<16x128xi32, #tpu.memory_space<hbm>>) dst(%arg10 : memref<16x128xi32, #tpu.memory_space<vmem>>)
        tpu.yield
      }) : () -> ()
      "tpu.region"() ({
        %run_scoped3A = tpu.sem_alloc : memref<!tpu.dma_semaphore, #tpu.memory_space<semaphore_mem>>
        %dma_start3A = arith.constant 0 : i32
        %dma_start3A_50 = tpu.memref_slice %arg5[%add3A_27, %dma_start3A] : memref<6400x128xi32, #tpu.memory_space<hbm>> -> memref<16x128xi32, #tpu.memory_space<hbm>>
        %dma_start3A_51 = arith.constant 0 : i32
        %dma_start3A_52 = tpu.memref_slice %arg5[%add3A_27, %dma_start3A_51] : memref<6400x128xi32, #tpu.memory_space<hbm>> -> memref<16x128xi32, #tpu.memory_space<hbm>>
        tpu.enqueue_dma source(%dma_start3A_52 : memref<16x128xi32, #tpu.memory_space<hbm>>) target(%arg11 : memref<16x128xi32, #tpu.memory_space<vmem>>) target_semaphore(%run_scoped3A : memref<!tpu.dma_semaphore, #tpu.memory_space<semaphore_mem>>)
        %dma_wait3A = arith.constant 0 : i32
        %dma_wait3A_53 = tpu.memref_slice %arg5[%add3A_27, %dma_wait3A] : memref<6400x128xi32, #tpu.memory_space<hbm>> -> memref<16x128xi32, #tpu.memory_space<hbm>>
        %dma_wait3A_54 = arith.constant 0 : i32
        %dma_wait3A_55 = tpu.memref_slice %arg5[%add3A_27, %dma_wait3A_54] : memref<6400x128xi32, #tpu.memory_space<hbm>> -> memref<16x128xi32, #tpu.memory_space<hbm>>
        tpu.wait_dma2 semaphore(%run_scoped3A : memref<!tpu.dma_semaphore, #tpu.memory_space<semaphore_mem>>) src(%dma_wait3A_55 : memref<16x128xi32, #tpu.memory_space<hbm>>) dst(%arg11 : memref<16x128xi32, #tpu.memory_space<vmem>>)
        tpu.yield
      }) : () -> ()
      %eq3A = arith.constant 0 : i32
      %eq3A_28 = arith.cmpi eq, %arg0, %eq3A : i32
      %convert_element_type3A = arith.extui %eq3A_28 : i1 to i32
      %cond3A = arith.constant 0 : i32
      %cond3A_29 = arith.cmpi ne, %convert_element_type3A, %cond3A : i32
      scf.if %cond3A_29 {
        %dma_start3A = arith.constant 0 : i32
        %dma_start3A_50 = arith.constant 0 : i32
        %dma_start3A_51 = tpu.memref_slice %arg10[%dma_start3A, %dma_start3A_50] : memref<16x128xi32, #tpu.memory_space<vmem>> -> memref<1x128xi32, #tpu.memory_space<vmem>>
        %dma_start3A_52 = tpu.memref_squeeze %dma_start3A_51 : memref<1x128xi32, #tpu.memory_space<vmem>> -> memref<128xi32, #tpu.memory_space<vmem>>
        %dma_start3A_53 = arith.constant 0 : i32
        %dma_start3A_54 = arith.constant 0 : i32
        %dma_start3A_55 = tpu.memref_slice %arg2[%dma_start3A_53, %dma_start3A_54] : memref<50000x32xf32, #tpu.memory_space<hbm>> -> memref<50000x32xf32, #tpu.memory_space<hbm>>
        tpu.enqueue_indirect_dma source(%dma_start3A_55 : memref<50000x32xf32, #tpu.memory_space<hbm>>) target(%arg12 : memref<128x32xf32, #tpu.memory_space<vmem>>) offsets(%dma_start3A_52 : memref<128xi32, #tpu.memory_space<vmem>>) semaphore(%arg16 : memref<!tpu.dma_semaphore, #tpu.memory_space<semaphore_mem>>)
      } else {
      }
      %eq3A_30 = arith.constant 1 : i32
      %eq3A_31 = arith.cmpi eq, %arg0, %eq3A_30 : i32
      %convert_element_type3A_32 = arith.extui %eq3A_31 : i1 to i32
      %cond3A_33 = arith.constant 0 : i32
      %cond3A_34 = arith.cmpi ne, %convert_element_type3A_32, %cond3A_33 : i32
      scf.if %cond3A_34 {
        %dma_start3A = arith.constant 0 : i32
        %dma_start3A_50 = arith.constant 0 : i32
        %dma_start3A_51 = tpu.memref_slice %arg10[%dma_start3A, %dma_start3A_50] : memref<16x128xi32, #tpu.memory_space<vmem>> -> memref<1x128xi32, #tpu.memory_space<vmem>>
        %dma_start3A_52 = tpu.memref_squeeze %dma_start3A_51 : memref<1x128xi32, #tpu.memory_space<vmem>> -> memref<128xi32, #tpu.memory_space<vmem>>
        %dma_start3A_53 = arith.constant 0 : i32
        %dma_start3A_54 = arith.constant 0 : i32
        %dma_start3A_55 = tpu.memref_slice %arg3[%dma_start3A_53, %dma_start3A_54] : memref<50000x32xf32, #tpu.memory_space<hbm>> -> memref<50000x32xf32, #tpu.memory_space<hbm>>
        tpu.enqueue_indirect_dma source(%dma_start3A_55 : memref<50000x32xf32, #tpu.memory_space<hbm>>) target(%arg12 : memref<128x32xf32, #tpu.memory_space<vmem>>) offsets(%dma_start3A_52 : memref<128xi32, #tpu.memory_space<vmem>>) semaphore(%arg16 : memref<!tpu.dma_semaphore, #tpu.memory_space<semaphore_mem>>)
      } else {
      }
      %eq3A_35 = arith.constant 0 : i32
      %eq3A_36 = arith.cmpi eq, %arg0, %eq3A_35 : i32
      %convert_element_type3A_37 = arith.extui %eq3A_36 : i1 to i32
      %cond3A_38 = arith.constant 0 : i32
      %cond3A_39 = arith.cmpi ne, %convert_element_type3A_37, %cond3A_38 : i32
      scf.if %cond3A_39 {
        %add3A_50 = arith.constant 0 : i32
        %add3A_51 = arith.addi %add3A_27, %add3A_50 : i32
        %mul3A_52 = arith.constant 32 : i32
        %mul3A_53 = arith.muli %add3A_51, %mul3A_52 : i32
        %dma_start3A = arith.constant 0 : i32
        %dma_start3A_54 = tpu.memref_slice %arg6[%mul3A_53, %dma_start3A] : memref<204800x128xf32, #tpu.memory_space<hbm>> -> memref<32x128xf32, #tpu.memory_space<hbm>>
        %dma_start3A_55 = arith.constant 0 : i32
        %dma_start3A_56 = tpu.memref_slice %arg6[%mul3A_53, %dma_start3A_55] : memref<204800x128xf32, #tpu.memory_space<hbm>> -> memref<32x128xf32, #tpu.memory_space<hbm>>
        tpu.enqueue_dma source(%dma_start3A_56 : memref<32x128xf32, #tpu.memory_space<hbm>>) target(%arg14 : memref<32x128xf32, #tpu.memory_space<vmem>>) target_semaphore(%arg18 : memref<!tpu.dma_semaphore, #tpu.memory_space<semaphore_mem>>)
      } else {
      }
      %eq3A_40 = arith.constant 1 : i32
      %eq3A_41 = arith.cmpi eq, %arg0, %eq3A_40 : i32
      %convert_element_type3A_42 = arith.extui %eq3A_41 : i1 to i32
      %cond3A_43 = arith.constant 0 : i32
      %cond3A_44 = arith.cmpi ne, %convert_element_type3A_42, %cond3A_43 : i32
      scf.if %cond3A_44 {
        %add3A_50 = arith.constant 0 : i32
        %add3A_51 = arith.addi %add3A_27, %add3A_50 : i32
        %mul3A_52 = arith.constant 32 : i32
        %mul3A_53 = arith.muli %add3A_51, %mul3A_52 : i32
        %dma_start3A = arith.constant 0 : i32
        %dma_start3A_54 = tpu.memref_slice %arg7[%mul3A_53, %dma_start3A] : memref<204800x128xf32, #tpu.memory_space<hbm>> -> memref<32x128xf32, #tpu.memory_space<hbm>>
        %dma_start3A_55 = arith.constant 0 : i32
        %dma_start3A_56 = tpu.memref_slice %arg7[%mul3A_53, %dma_start3A_55] : memref<204800x128xf32, #tpu.memory_space<hbm>> -> memref<32x128xf32, #tpu.memory_space<hbm>>
        tpu.enqueue_dma source(%dma_start3A_56 : memref<32x128xf32, #tpu.memory_space<hbm>>) target(%arg14 : memref<32x128xf32, #tpu.memory_space<vmem>>) target_semaphore(%arg18 : memref<!tpu.dma_semaphore, #tpu.memory_space<semaphore_mem>>)
      } else {
      }
      %scan3A_45 = arith.constant 0 : i32
      %scan3A_46 = arith.constant 8 : i32
      %scan3A_47 = arith.addi %scan3A_45, %scan3A_46 : i32
      %scan3A_48 = arith.constant 1 : i32
      scf.for %scan3A_50 = %scan3A_45 to %scan3A_47 step %scan3A_48  : i32 {
        %mul3A_51 = arith.constant 1 : i32
        %mul3A_52 = arith.muli %scan3A_50, %mul3A_51 : i32
        %add3A_53 = arith.constant 0 : i32
        %add3A_54 = arith.addi %add3A_53, %mul3A_52 : i32
        %mul3A_55 = arith.constant 2 : i32
        %mul3A_56 = arith.muli %add3A_54, %mul3A_55 : i32
        %add3A_57 = arith.constant 0 : i32
        %add3A_58 = arith.addi %mul3A_56, %add3A_57 : i32
        %add3A_59 = arith.constant 1 : i32
        %add3A_60 = arith.addi %add3A_58, %add3A_59 : i32
        %lt3A = arith.constant 16 : i32
        %lt3A_61 = arith.cmpi slt, %add3A_60, %lt3A : i32
        %convert_element_type3A_62 = arith.extui %lt3A_61 : i1 to i32
        %cond3A_63 = arith.constant 0 : i32
        %cond3A_64 = arith.cmpi ne, %convert_element_type3A_62, %cond3A_63 : i32
        scf.if %cond3A_64 {
          %add3A_109 = arith.constant 1 : i32
          %add3A_110 = arith.addi %add3A_58, %add3A_109 : i32
          %eq3A_111 = arith.constant 0 : i32
          %eq3A_112 = arith.cmpi eq, %arg0, %eq3A_111 : i32
          %convert_element_type3A_113 = arith.extui %eq3A_112 : i1 to i32
          %cond3A_114 = arith.constant 0 : i32
          %cond3A_115 = arith.cmpi ne, %convert_element_type3A_113, %cond3A_114 : i32
          scf.if %cond3A_115 {
            %dma_start3A = arith.constant 0 : i32
            %dma_start3A_133 = tpu.memref_slice %arg10[%add3A_110, %dma_start3A] : memref<16x128xi32, #tpu.memory_space<vmem>> -> memref<1x128xi32, #tpu.memory_space<vmem>>
            %dma_start3A_134 = tpu.memref_squeeze %dma_start3A_133 : memref<1x128xi32, #tpu.memory_space<vmem>> -> memref<128xi32, #tpu.memory_space<vmem>>
            %dma_start3A_135 = arith.constant 0 : i32
            %dma_start3A_136 = arith.constant 0 : i32
            %dma_start3A_137 = tpu.memref_slice %arg2[%dma_start3A_135, %dma_start3A_136] : memref<50000x32xf32, #tpu.memory_space<hbm>> -> memref<50000x32xf32, #tpu.memory_space<hbm>>
            tpu.enqueue_indirect_dma source(%dma_start3A_137 : memref<50000x32xf32, #tpu.memory_space<hbm>>) target(%arg13 : memref<128x32xf32, #tpu.memory_space<vmem>>) offsets(%dma_start3A_134 : memref<128xi32, #tpu.memory_space<vmem>>) semaphore(%arg17 : memref<!tpu.dma_semaphore, #tpu.memory_space<semaphore_mem>>)
          } else {
          }
          %eq3A_116 = arith.constant 1 : i32
          %eq3A_117 = arith.cmpi eq, %arg0, %eq3A_116 : i32
          %convert_element_type3A_118 = arith.extui %eq3A_117 : i1 to i32
          %cond3A_119 = arith.constant 0 : i32
          %cond3A_120 = arith.cmpi ne, %convert_element_type3A_118, %cond3A_119 : i32
          scf.if %cond3A_120 {
            %dma_start3A = arith.constant 0 : i32
            %dma_start3A_133 = tpu.memref_slice %arg10[%add3A_110, %dma_start3A] : memref<16x128xi32, #tpu.memory_space<vmem>> -> memref<1x128xi32, #tpu.memory_space<vmem>>
            %dma_start3A_134 = tpu.memref_squeeze %dma_start3A_133 : memref<1x128xi32, #tpu.memory_space<vmem>> -> memref<128xi32, #tpu.memory_space<vmem>>
            %dma_start3A_135 = arith.constant 0 : i32
            %dma_start3A_136 = arith.constant 0 : i32
            %dma_start3A_137 = tpu.memref_slice %arg3[%dma_start3A_135, %dma_start3A_136] : memref<50000x32xf32, #tpu.memory_space<hbm>> -> memref<50000x32xf32, #tpu.memory_space<hbm>>
            tpu.enqueue_indirect_dma source(%dma_start3A_137 : memref<50000x32xf32, #tpu.memory_space<hbm>>) target(%arg13 : memref<128x32xf32, #tpu.memory_space<vmem>>) offsets(%dma_start3A_134 : memref<128xi32, #tpu.memory_space<vmem>>) semaphore(%arg17 : memref<!tpu.dma_semaphore, #tpu.memory_space<semaphore_mem>>)
          } else {
          }
          %add3A_121 = arith.constant 1 : i32
          %add3A_122 = arith.addi %add3A_58, %add3A_121 : i32
          %eq3A_123 = arith.constant 0 : i32
          %eq3A_124 = arith.cmpi eq, %arg0, %eq3A_123 : i32
          %convert_element_type3A_125 = arith.extui %eq3A_124 : i1 to i32
          %cond3A_126 = arith.constant 0 : i32
          %cond3A_127 = arith.cmpi ne, %convert_element_type3A_125, %cond3A_126 : i32
          scf.if %cond3A_127 {
            %add3A_133 = arith.addi %add3A_27, %add3A_122 : i32
            %mul3A_134 = arith.constant 32 : i32
            %mul3A_135 = arith.muli %add3A_133, %mul3A_134 : i32
            %dma_start3A = arith.constant 0 : i32
            %dma_start3A_136 = tpu.memref_slice %arg6[%mul3A_135, %dma_start3A] : memref<204800x128xf32, #tpu.memory_space<hbm>> -> memref<32x128xf32, #tpu.memory_space<hbm>>
            %dma_start3A_137 = arith.constant 0 : i32
            %dma_start3A_138 = tpu.memref_slice %arg6[%mul3A_135, %dma_start3A_137] : memref<204800x128xf32, #tpu.memory_space<hbm>> -> memref<32x128xf32, #tpu.memory_space<hbm>>
            tpu.enqueue_dma source(%dma_start3A_138 : memref<32x128xf32, #tpu.memory_space<hbm>>) target(%arg15 : memref<32x128xf32, #tpu.memory_space<vmem>>) target_semaphore(%arg19 : memref<!tpu.dma_semaphore, #tpu.memory_space<semaphore_mem>>)
          } else {
          }
          %eq3A_128 = arith.constant 1 : i32
          %eq3A_129 = arith.cmpi eq, %arg0, %eq3A_128 : i32
          %convert_element_type3A_130 = arith.extui %eq3A_129 : i1 to i32
          %cond3A_131 = arith.constant 0 : i32
          %cond3A_132 = arith.cmpi ne, %convert_element_type3A_130, %cond3A_131 : i32
          scf.if %cond3A_132 {
            %add3A_133 = arith.addi %add3A_27, %add3A_122 : i32
            %mul3A_134 = arith.constant 32 : i32
            %mul3A_135 = arith.muli %add3A_133, %mul3A_134 : i32
            %dma_start3A = arith.constant 0 : i32
            %dma_start3A_136 = tpu.memref_slice %arg7[%mul3A_135, %dma_start3A] : memref<204800x128xf32, #tpu.memory_space<hbm>> -> memref<32x128xf32, #tpu.memory_space<hbm>>
            %dma_start3A_137 = arith.constant 0 : i32
            %dma_start3A_138 = tpu.memref_slice %arg7[%mul3A_135, %dma_start3A_137] : memref<204800x128xf32, #tpu.memory_space<hbm>> -> memref<32x128xf32, #tpu.memory_space<hbm>>
            tpu.enqueue_dma source(%dma_start3A_138 : memref<32x128xf32, #tpu.memory_space<hbm>>) target(%arg15 : memref<32x128xf32, #tpu.memory_space<vmem>>) target_semaphore(%arg19 : memref<!tpu.dma_semaphore, #tpu.memory_space<semaphore_mem>>)
          } else {
          }
        } else {
        }
        %dma_wait3A = arith.constant 0 : i32
        %dma_wait3A_65 = tpu.memref_slice %arg10[%add3A_58, %dma_wait3A] : memref<16x128xi32, #tpu.memory_space<vmem>> -> memref<1x128xi32, #tpu.memory_space<vmem>>
        %dma_wait3A_66 = tpu.memref_squeeze %dma_wait3A_65 : memref<1x128xi32, #tpu.memory_space<vmem>> -> memref<128xi32, #tpu.memory_space<vmem>>
        %dma_wait3A_67 = arith.constant 0 : i32
        %dma_wait3A_68 = arith.constant 0 : i32
        %dma_wait3A_69 = tpu.memref_slice %arg2[%dma_wait3A_67, %dma_wait3A_68] : memref<50000x32xf32, #tpu.memory_space<hbm>> -> memref<50000x32xf32, #tpu.memory_space<hbm>>
        tpu.wait_indirect_dma semaphore(%arg16 : memref<!tpu.dma_semaphore, #tpu.memory_space<semaphore_mem>>) src(%dma_wait3A_69 : memref<50000x32xf32, #tpu.memory_space<hbm>>) dst(%arg12 : memref<128x32xf32, #tpu.memory_space<vmem>>)
        %dma_wait3A_70 = arith.constant 0 : i32
        %dma_wait3A_71 = arith.constant 0 : i32
        %dma_wait3A_72 = tpu.memref_slice %arg6[%dma_wait3A_70, %dma_wait3A_71] : memref<204800x128xf32, #tpu.memory_space<hbm>> -> memref<32x128xf32, #tpu.memory_space<hbm>>
        %dma_wait3A_73 = arith.constant 0 : i32
        %dma_wait3A_74 = arith.constant 0 : i32
        %dma_wait3A_75 = tpu.memref_slice %arg6[%dma_wait3A_73, %dma_wait3A_74] : memref<204800x128xf32, #tpu.memory_space<hbm>> -> memref<32x128xf32, #tpu.memory_space<hbm>>
        tpu.wait_dma2 semaphore(%arg18 : memref<!tpu.dma_semaphore, #tpu.memory_space<semaphore_mem>>) src(%dma_wait3A_75 : memref<32x128xf32, #tpu.memory_space<hbm>>) dst(%arg14 : memref<32x128xf32, #tpu.memory_space<vmem>>)
        %scan3A_76 = arith.constant 0 : i32
        %scan3A_77 = arith.constant 32 : i32
        %scan3A_78 = arith.addi %scan3A_76, %scan3A_77 : i32
        %scan3A_79 = arith.constant 4 : i32
        scf.for %scan3A_109 = %scan3A_76 to %scan3A_78 step %scan3A_79  : i32 {
          %mul3A_110 = arith.constant 1 : i32
          %mul3A_111 = arith.muli %scan3A_109, %mul3A_110 : i32
          %add3A_112 = arith.constant 0 : i32
          %add3A_113 = arith.addi %add3A_112, %mul3A_111 : i32
          %mul3A_114 = arith.constant 4 : i32
          %mul3A_115 = arith.muli %add3A_113, %mul3A_114 : i32
          %add3A_116 = arith.constant 0 : i32
          %add3A_117 = arith.addi %mul3A_115, %add3A_116 : i32
          %get3A = arith.index_cast %add3A_117 : i32 to index
          %get3A_118 = arith.constant 0 : index
          %get3A_119 = tpu.vector_load %arg12[%get3A, %get3A_118] {strides = array<i32>} : memref<128x32xf32, #tpu.memory_space<vmem>>, vector<1x16xf32>,
          %get3A_120 = vector.shape_cast %get3A_119 : vector<1x16xf32> to vector<16xf32>
          %get3A_121 = arith.index_cast %add3A_113 : i32 to index
          %get3A_122 = arith.constant 0 : index
          %get3A_123 = tpu.vector_load %arg14[%get3A_121, %get3A_122] {strides = array<i32>} : memref<32x128xf32, #tpu.memory_space<vmem>>, vector<1x16xf32>,
          %get3A_124 = vector.shape_cast %get3A_123 : vector<1x16xf32> to vector<16xf32>
          %mul3A_125 = arith.mulf %get3A_120, %get3A_124 : vector<16xf32>
          %swap3A = arith.index_cast %add3A_117 : i32 to index
          %swap3A_126 = arith.constant 0 : index
          %swap3A_127 = tpu.vector_load %arg12[%swap3A, %swap3A_126] {strides = array<i32>} : memref<128x32xf32, #tpu.memory_space<vmem>>, vector<1x16xf32>,
          %swap3A_128 = vector.shape_cast %swap3A_127 : vector<1x16xf32> to vector<16xf32>
          %swap3A_129 = vector.shape_cast %mul3A_125 : vector<16xf32> to vector<1x16xf32>
          tpu.vector_store %arg12[%swap3A, %swap3A_126], %swap3A_129 {strides = array<i32>} : memref<128x32xf32, #tpu.memory_space<vmem>>, vector<1x16xf32>,
          %get3A_130 = arith.index_cast %add3A_117 : i32 to index
          %get3A_131 = arith.constant 16 : index
          %get3A_132 = tpu.vector_load %arg12[%get3A_130, %get3A_131] {strides = array<i32>} : memref<128x32xf32, #tpu.memory_space<vmem>>, vector<1x16xf32>,
          %get3A_133 = vector.shape_cast %get3A_132 : vector<1x16xf32> to vector<16xf32>
          %get3A_134 = arith.index_cast %add3A_113 : i32 to index
          %get3A_135 = arith.constant 16 : index
          %get3A_136 = tpu.vector_load %arg14[%get3A_134, %get3A_135] {strides = array<i32>} : memref<32x128xf32, #tpu.memory_space<vmem>>, vector<1x16xf32>,
          %get3A_137 = vector.shape_cast %get3A_136 : vector<1x16xf32> to vector<16xf32>
          %mul3A_138 = arith.mulf %get3A_133, %get3A_137 : vector<16xf32>
          %swap3A_139 = arith.index_cast %add3A_117 : i32 to index
          %swap3A_140 = arith.constant 16 : index
          %swap3A_141 = tpu.vector_load %arg12[%swap3A_139, %swap3A_140] {strides = array<i32>} : memref<128x32xf32, #tpu.memory_space<vmem>>, vector<1x16xf32>,
          %swap3A_142 = vector.shape_cast %swap3A_141 : vector<1x16xf32> to vector<16xf32>
          %swap3A_143 = vector.shape_cast %mul3A_138 : vector<16xf32> to vector<1x16xf32>
          tpu.vector_store %arg12[%swap3A_139, %swap3A_140], %swap3A_143 {strides = array<i32>} : memref<128x32xf32, #tpu.memory_space<vmem>>, vector<1x16xf32>,
          %mul3A_144 = arith.constant 4 : i32
          %mul3A_145 = arith.muli %add3A_113, %mul3A_144 : i32
          %add3A_146 = arith.constant 1 : i32
          %add3A_147 = arith.addi %mul3A_145, %add3A_146 : i32
          %get3A_148 = arith.index_cast %add3A_147 : i32 to index
          %get3A_149 = arith.constant 0 : index
          %get3A_150 = tpu.vector_load %arg12[%get3A_148, %get3A_149] {strides = array<i32>} : memref<128x32xf32, #tpu.memory_space<vmem>>, vector<1x16xf32>,
          %get3A_151 = vector.shape_cast %get3A_150 : vector<1x16xf32> to vector<16xf32>
          %get3A_152 = arith.index_cast %add3A_113 : i32 to index
          %get3A_153 = arith.constant 32 : index
          %get3A_154 = tpu.vector_load %arg14[%get3A_152, %get3A_153] {strides = array<i32>} : memref<32x128xf32, #tpu.memory_space<vmem>>, vector<1x16xf32>,
          %get3A_155 = vector.shape_cast %get3A_154 : vector<1x16xf32> to vector<16xf32>
          %mul3A_156 = arith.mulf %get3A_151, %get3A_155 : vector<16xf32>
          %swap3A_157 = arith.index_cast %add3A_147 : i32 to index
          %swap3A_158 = arith.constant 0 : index
          %swap3A_159 = tpu.vector_load %arg12[%swap3A_157, %swap3A_158] {strides = array<i32>} : memref<128x32xf32, #tpu.memory_space<vmem>>, vector<1x16xf32>,
          %swap3A_160 = vector.shape_cast %swap3A_159 : vector<1x16xf32> to vector<16xf32>
          %swap3A_161 = vector.shape_cast %mul3A_156 : vector<16xf32> to vector<1x16xf32>
          tpu.vector_store %arg12[%swap3A_157, %swap3A_158], %swap3A_161 {strides = array<i32>} : memref<128x32xf32, #tpu.memory_space<vmem>>, vector<1x16xf32>,
          %get3A_162 = arith.index_cast %add3A_147 : i32 to index
          %get3A_163 = arith.constant 16 : index
          %get3A_164 = tpu.vector_load %arg12[%get3A_162, %get3A_163] {strides = array<i32>} : memref<128x32xf32, #tpu.memory_space<vmem>>, vector<1x16xf32>,
          %get3A_165 = vector.shape_cast %get3A_164 : vector<1x16xf32> to vector<16xf32>
          %get3A_166 = arith.index_cast %add3A_113 : i32 to index
          %get3A_167 = arith.constant 48 : index
          %get3A_168 = tpu.vector_load %arg14[%get3A_166, %get3A_167] {strides = array<i32>} : memref<32x128xf32, #tpu.memory_space<vmem>>, vector<1x16xf32>,
          %get3A_169 = vector.shape_cast %get3A_168 : vector<1x16xf32> to vector<16xf32>
          %mul3A_170 = arith.mulf %get3A_165, %get3A_169 : vector<16xf32>
          %swap3A_171 = arith.index_cast %add3A_147 : i32 to index
          %swap3A_172 = arith.constant 16 : index
          %swap3A_173 = tpu.vector_load %arg12[%swap3A_171, %swap3A_172] {strides = array<i32>} : memref<128x32xf32, #tpu.memory_space<vmem>>, vector<1x16xf32>,
          %swap3A_174 = vector.shape_cast %swap3A_173 : vector<1x16xf32> to vector<16xf32>
          %swap3A_175 = vector.shape_cast %mul3A_170 : vector<16xf32> to vector<1x16xf32>
          tpu.vector_store %arg12[%swap3A_171, %swap3A_172], %swap3A_175 {strides = array<i32>} : memref<128x32xf32, #tpu.memory_space<vmem>>, vector<1x16xf32>,
          %mul3A_176 = arith.constant 4 : i32
          %mul3A_177 = arith.muli %add3A_113, %mul3A_176 : i32
          %add3A_178 = arith.constant 2 : i32
          %add3A_179 = arith.addi %mul3A_177, %add3A_178 : i32
          %get3A_180 = arith.index_cast %add3A_179 : i32 to index
          %get3A_181 = arith.constant 0 : index
          %get3A_182 = tpu.vector_load %arg12[%get3A_180, %get3A_181] {strides = array<i32>} : memref<128x32xf32, #tpu.memory_space<vmem>>, vector<1x16xf32>,
          %get3A_183 = vector.shape_cast %get3A_182 : vector<1x16xf32> to vector<16xf32>
          %get3A_184 = arith.index_cast %add3A_113 : i32 to index
          %get3A_185 = arith.constant 64 : index
          %get3A_186 = tpu.vector_load %arg14[%get3A_184, %get3A_185] {strides = array<i32>} : memref<32x128xf32, #tpu.memory_space<vmem>>, vector<1x16xf32>,
          %get3A_187 = vector.shape_cast %get3A_186 : vector<1x16xf32> to vector<16xf32>
          %mul3A_188 = arith.mulf %get3A_183, %get3A_187 : vector<16xf32>
          %swap3A_189 = arith.index_cast %add3A_179 : i32 to index
          %swap3A_190 = arith.constant 0 : index
          %swap3A_191 = tpu.vector_load %arg12[%swap3A_189, %swap3A_190] {strides = array<i32>} : memref<128x32xf32, #tpu.memory_space<vmem>>, vector<1x16xf32>,
          %swap3A_192 = vector.shape_cast %swap3A_191 : vector<1x16xf32> to vector<16xf32>
          %swap3A_193 = vector.shape_cast %mul3A_188 : vector<16xf32> to vector<1x16xf32>
          tpu.vector_store %arg12[%swap3A_189, %swap3A_190], %swap3A_193 {strides = array<i32>} : memref<128x32xf32, #tpu.memory_space<vmem>>, vector<1x16xf32>,
          %get3A_194 = arith.index_cast %add3A_179 : i32 to index
          %get3A_195 = arith.constant 16 : index
          %get3A_196 = tpu.vector_load %arg12[%get3A_194, %get3A_195] {strides = array<i32>} : memref<128x32xf32, #tpu.memory_space<vmem>>, vector<1x16xf32>,
          %get3A_197 = vector.shape_cast %get3A_196 : vector<1x16xf32> to vector<16xf32>
          %get3A_198 = arith.index_cast %add3A_113 : i32 to index
          %get3A_199 = arith.constant 80 : index
          %get3A_200 = tpu.vector_load %arg14[%get3A_198, %get3A_199] {strides = array<i32>} : memref<32x128xf32, #tpu.memory_space<vmem>>, vector<1x16xf32>,
          %get3A_201 = vector.shape_cast %get3A_200 : vector<1x16xf32> to vector<16xf32>
          %mul3A_202 = arith.mulf %get3A_197, %get3A_201 : vector<16xf32>
          %swap3A_203 = arith.index_cast %add3A_179 : i32 to index
          %swap3A_204 = arith.constant 16 : index
          %swap3A_205 = tpu.vector_load %arg12[%swap3A_203, %swap3A_204] {strides = array<i32>} : memref<128x32xf32, #tpu.memory_space<vmem>>, vector<1x16xf32>,
          %swap3A_206 = vector.shape_cast %swap3A_205 : vector<1x16xf32> to vector<16xf32>
          %swap3A_207 = vector.shape_cast %mul3A_202 : vector<16xf32> to vector<1x16xf32>
          tpu.vector_store %arg12[%swap3A_203, %swap3A_204], %swap3A_207 {strides = array<i32>} : memref<128x32xf32, #tpu.memory_space<vmem>>, vector<1x16xf32>,
          %mul3A_208 = arith.constant 4 : i32
          %mul3A_209 = arith.muli %add3A_113, %mul3A_208 : i32
          %add3A_210 = arith.constant 3 : i32
          %add3A_211 = arith.addi %mul3A_209, %add3A_210 : i32
          %get3A_212 = arith.index_cast %add3A_211 : i32 to index
          %get3A_213 = arith.constant 0 : index
          %get3A_214 = tpu.vector_load %arg12[%get3A_212, %get3A_213] {strides = array<i32>} : memref<128x32xf32, #tpu.memory_space<vmem>>, vector<1x16xf32>,
          %get3A_215 = vector.shape_cast %get3A_214 : vector<1x16xf32> to vector<16xf32>
          %get3A_216 = arith.index_cast %add3A_113 : i32 to index
          %get3A_217 = arith.constant 96 : index
          %get3A_218 = tpu.vector_load %arg14[%get3A_216, %get3A_217] {strides = array<i32>} : memref<32x128xf32, #tpu.memory_space<vmem>>, vector<1x16xf32>,
          %get3A_219 = vector.shape_cast %get3A_218 : vector<1x16xf32> to vector<16xf32>
          %mul3A_220 = arith.mulf %get3A_215, %get3A_219 : vector<16xf32>
          %swap3A_221 = arith.index_cast %add3A_211 : i32 to index
          %swap3A_222 = arith.constant 0 : index
          %swap3A_223 = tpu.vector_load %arg12[%swap3A_221, %swap3A_222] {strides = array<i32>} : memref<128x32xf32, #tpu.memory_space<vmem>>, vector<1x16xf32>,
          %swap3A_224 = vector.shape_cast %swap3A_223 : vector<1x16xf32> to vector<16xf32>
          %swap3A_225 = vector.shape_cast %mul3A_220 : vector<16xf32> to vector<1x16xf32>
          tpu.vector_store %arg12[%swap3A_221, %swap3A_222], %swap3A_225 {strides = array<i32>} : memref<128x32xf32, #tpu.memory_space<vmem>>, vector<1x16xf32>,
          %get3A_226 = arith.index_cast %add3A_211 : i32 to index
          %get3A_227 = arith.constant 16 : index
          %get3A_228 = tpu.vector_load %arg12[%get3A_226, %get3A_227] {strides = array<i32>} : memref<128x32xf32, #tpu.memory_space<vmem>>, vector<1x16xf32>,
          %get3A_229 = vector.shape_cast %get3A_228 : vector<1x16xf32> to vector<16xf32>
          %get3A_230 = arith.index_cast %add3A_113 : i32 to index
          %get3A_231 = arith.constant 112 : index
          %get3A_232 = tpu.vector_load %arg14[%get3A_230, %get3A_231] {strides = array<i32>} : memref<32x128xf32, #tpu.memory_space<vmem>>, vector<1x16xf32>,
          %get3A_233 = vector.shape_cast %get3A_232 : vector<1x16xf32> to vector<16xf32>
          %mul3A_234 = arith.mulf %get3A_229, %get3A_233 : vector<16xf32>
          %swap3A_235 = arith.index_cast %add3A_211 : i32 to index
          %swap3A_236 = arith.constant 16 : index
          %swap3A_237 = tpu.vector_load %arg12[%swap3A_235, %swap3A_236] {strides = array<i32>} : memref<128x32xf32, #tpu.memory_space<vmem>>, vector<1x16xf32>,
          %swap3A_238 = vector.shape_cast %swap3A_237 : vector<1x16xf32> to vector<16xf32>
          %swap3A_239 = vector.shape_cast %mul3A_234 : vector<16xf32> to vector<1x16xf32>
          tpu.vector_store %arg12[%swap3A_235, %swap3A_236], %swap3A_239 {strides = array<i32>} : memref<128x32xf32, #tpu.memory_space<vmem>>, vector<1x16xf32>,
          %scan3A_240 = arith.constant 1 : i32
          %scan3A_241 = arith.addi %scan3A_109, %scan3A_240 : i32
          %mul3A_242 = arith.constant 1 : i32
          %mul3A_243 = arith.muli %scan3A_241, %mul3A_242 : i32
          %add3A_244 = arith.constant 0 : i32
          %add3A_245 = arith.addi %add3A_244, %mul3A_243 : i32
          %mul3A_246 = arith.constant 4 : i32
          %mul3A_247 = arith.muli %add3A_245, %mul3A_246 : i32
          %add3A_248 = arith.constant 0 : i32
          %add3A_249 = arith.addi %mul3A_247, %add3A_248 : i32
          %get3A_250 = arith.index_cast %add3A_249 : i32 to index
          %get3A_251 = arith.constant 0 : index
          %get3A_252 = tpu.vector_load %arg12[%get3A_250, %get3A_251] {strides = array<i32>} : memref<128x32xf32, #tpu.memory_space<vmem>>, vector<1x16xf32>,
          %get3A_253 = vector.shape_cast %get3A_252 : vector<1x16xf32> to vector<16xf32>
          %get3A_254 = arith.index_cast %add3A_245 : i32 to index
          %get3A_255 = arith.constant 0 : index
          %get3A_256 = tpu.vector_load %arg14[%get3A_254, %get3A_255] {strides = array<i32>} : memref<32x128xf32, #tpu.memory_space<vmem>>, vector<1x16xf32>,
          %get3A_257 = vector.shape_cast %get3A_256 : vector<1x16xf32> to vector<16xf32>
          %mul3A_258 = arith.mulf %get3A_253, %get3A_257 : vector<16xf32>
          %swap3A_259 = arith.index_cast %add3A_249 : i32 to index
          %swap3A_260 = arith.constant 0 : index
          %swap3A_261 = tpu.vector_load %arg12[%swap3A_259, %swap3A_260] {strides = array<i32>} : memref<128x32xf32, #tpu.memory_space<vmem>>, vector<1x16xf32>,
          %swap3A_262 = vector.shape_cast %swap3A_261 : vector<1x16xf32> to vector<16xf32>
          %swap3A_263 = vector.shape_cast %mul3A_258 : vector<16xf32> to vector<1x16xf32>
          tpu.vector_store %arg12[%swap3A_259, %swap3A_260], %swap3A_263 {strides = array<i32>} : memref<128x32xf32, #tpu.memory_space<vmem>>, vector<1x16xf32>,
          %get3A_264 = arith.index_cast %add3A_249 : i32 to index
          %get3A_265 = arith.constant 16 : index
          %get3A_266 = tpu.vector_load %arg12[%get3A_264, %get3A_265] {strides = array<i32>} : memref<128x32xf32, #tpu.memory_space<vmem>>, vector<1x16xf32>,
          %get3A_267 = vector.shape_cast %get3A_266 : vector<1x16xf32> to vector<16xf32>
          %get3A_268 = arith.index_cast %add3A_245 : i32 to index
          %get3A_269 = arith.constant 16 : index
          %get3A_270 = tpu.vector_load %arg14[%get3A_268, %get3A_269] {strides = array<i32>} : memref<32x128xf32, #tpu.memory_space<vmem>>, vector<1x16xf32>,
          %get3A_271 = vector.shape_cast %get3A_270 : vector<1x16xf32> to vector<16xf32>
          %mul3A_272 = arith.mulf %get3A_267, %get3A_271 : vector<16xf32>
          %swap3A_273 = arith.index_cast %add3A_249 : i32 to index
          %swap3A_274 = arith.constant 16 : index
          %swap3A_275 = tpu.vector_load %arg12[%swap3A_273, %swap3A_274] {strides = array<i32>} : memref<128x32xf32, #tpu.memory_space<vmem>>, vector<1x16xf32>,
          %swap3A_276 = vector.shape_cast %swap3A_275 : vector<1x16xf32> to vector<16xf32>
          %swap3A_277 = vector.shape_cast %mul3A_272 : vector<16xf32> to vector<1x16xf32>
          tpu.vector_store %arg12[%swap3A_273, %swap3A_274], %swap3A_277 {strides = array<i32>} : memref<128x32xf32, #tpu.memory_space<vmem>>, vector<1x16xf32>,
          %mul3A_278 = arith.constant 4 : i32
          %mul3A_279 = arith.muli %add3A_245, %mul3A_278 : i32
          %add3A_280 = arith.constant 1 : i32
          %add3A_281 = arith.addi %mul3A_279, %add3A_280 : i32
          %get3A_282 = arith.index_cast %add3A_281 : i32 to index
          %get3A_283 = arith.constant 0 : index
          %get3A_284 = tpu.vector_load %arg12[%get3A_282, %get3A_283] {strides = array<i32>} : memref<128x32xf32, #tpu.memory_space<vmem>>, vector<1x16xf32>,
          %get3A_285 = vector.shape_cast %get3A_284 : vector<1x16xf32> to vector<16xf32>
          %get3A_286 = arith.index_cast %add3A_245 : i32 to index
          %get3A_287 = arith.constant 32 : index
          %get3A_288 = tpu.vector_load %arg14[%get3A_286, %get3A_287] {strides = array<i32>} : memref<32x128xf32, #tpu.memory_space<vmem>>, vector<1x16xf32>,
          %get3A_289 = vector.shape_cast %get3A_288 : vector<1x16xf32> to vector<16xf32>
          %mul3A_290 = arith.mulf %get3A_285, %get3A_289 : vector<16xf32>
          %swap3A_291 = arith.index_cast %add3A_281 : i32 to index
          %swap3A_292 = arith.constant 0 : index
          %swap3A_293 = tpu.vector_load %arg12[%swap3A_291, %swap3A_292] {strides = array<i32>} : memref<128x32xf32, #tpu.memory_space<vmem>>, vector<1x16xf32>,
          %swap3A_294 = vector.shape_cast %swap3A_293 : vector<1x16xf32> to vector<16xf32>
          %swap3A_295 = vector.shape_cast %mul3A_290 : vector<16xf32> to vector<1x16xf32>
          tpu.vector_store %arg12[%swap3A_291, %swap3A_292], %swap3A_295 {strides = array<i32>} : memref<128x32xf32, #tpu.memory_space<vmem>>, vector<1x16xf32>,
          %get3A_296 = arith.index_cast %add3A_281 : i32 to index
          %get3A_297 = arith.constant 16 : index
          %get3A_298 = tpu.vector_load %arg12[%get3A_296, %get3A_297] {strides = array<i32>} : memref<128x32xf32, #tpu.memory_space<vmem>>, vector<1x16xf32>,
          %get3A_299 = vector.shape_cast %get3A_298 : vector<1x16xf32> to vector<16xf32>
          %get3A_300 = arith.index_cast %add3A_245 : i32 to index
          %get3A_301 = arith.constant 48 : index
          %get3A_302 = tpu.vector_load %arg14[%get3A_300, %get3A_301] {strides = array<i32>} : memref<32x128xf32, #tpu.memory_space<vmem>>, vector<1x16xf32>,
          %get3A_303 = vector.shape_cast %get3A_302 : vector<1x16xf32> to vector<16xf32>
          %mul3A_304 = arith.mulf %get3A_299, %get3A_303 : vector<16xf32>
          %swap3A_305 = arith.index_cast %add3A_281 : i32 to index
          %swap3A_306 = arith.constant 16 : index
          %swap3A_307 = tpu.vector_load %arg12[%swap3A_305, %swap3A_306] {strides = array<i32>} : memref<128x32xf32, #tpu.memory_space<vmem>>, vector<1x16xf32>,
          %swap3A_308 = vector.shape_cast %swap3A_307 : vector<1x16xf32> to vector<16xf32>
          %swap3A_309 = vector.shape_cast %mul3A_304 : vector<16xf32> to vector<1x16xf32>
          tpu.vector_store %arg12[%swap3A_305, %swap3A_306], %swap3A_309 {strides = array<i32>} : memref<128x32xf32, #tpu.memory_space<vmem>>, vector<1x16xf32>,
          %mul3A_310 = arith.constant 4 : i32
          %mul3A_311 = arith.muli %add3A_245, %mul3A_310 : i32
          %add3A_312 = arith.constant 2 : i32
          %add3A_313 = arith.addi %mul3A_311, %add3A_312 : i32
          %get3A_314 = arith.index_cast %add3A_313 : i32 to index
          %get3A_315 = arith.constant 0 : index
          %get3A_316 = tpu.vector_load %arg12[%get3A_314, %get3A_315] {strides = array<i32>} : memref<128x32xf32, #tpu.memory_space<vmem>>, vector<1x16xf32>,
          %get3A_317 = vector.shape_cast %get3A_316 : vector<1x16xf32> to vector<16xf32>
          %get3A_318 = arith.index_cast %add3A_245 : i32 to index
          %get3A_319 = arith.constant 64 : index
          %get3A_320 = tpu.vector_load %arg14[%get3A_318, %get3A_319] {strides = array<i32>} : memref<32x128xf32, #tpu.memory_space<vmem>>, vector<1x16xf32>,
          %get3A_321 = vector.shape_cast %get3A_320 : vector<1x16xf32> to vector<16xf32>
          %mul3A_322 = arith.mulf %get3A_317, %get3A_321 : vector<16xf32>
          %swap3A_323 = arith.index_cast %add3A_313 : i32 to index
          %swap3A_324 = arith.constant 0 : index
          %swap3A_325 = tpu.vector_load %arg12[%swap3A_323, %swap3A_324] {strides = array<i32>} : memref<128x32xf32, #tpu.memory_space<vmem>>, vector<1x16xf32>,
          %swap3A_326 = vector.shape_cast %swap3A_325 : vector<1x16xf32> to vector<16xf32>
          %swap3A_327 = vector.shape_cast %mul3A_322 : vector<16xf32> to vector<1x16xf32>
          tpu.vector_store %arg12[%swap3A_323, %swap3A_324], %swap3A_327 {strides = array<i32>} : memref<128x32xf32, #tpu.memory_space<vmem>>, vector<1x16xf32>,
          %get3A_328 = arith.index_cast %add3A_313 : i32 to index
          %get3A_329 = arith.constant 16 : index
          %get3A_330 = tpu.vector_load %arg12[%get3A_328, %get3A_329] {strides = array<i32>} : memref<128x32xf32, #tpu.memory_space<vmem>>, vector<1x16xf32>,
          %get3A_331 = vector.shape_cast %get3A_330 : vector<1x16xf32> to vector<16xf32>
          %get3A_332 = arith.index_cast %add3A_245 : i32 to index
          %get3A_333 = arith.constant 80 : index
          %get3A_334 = tpu.vector_load %arg14[%get3A_332, %get3A_333] {strides = array<i32>} : memref<32x128xf32, #tpu.memory_space<vmem>>, vector<1x16xf32>,
          %get3A_335 = vector.shape_cast %get3A_334 : vector<1x16xf32> to vector<16xf32>
          %mul3A_336 = arith.mulf %get3A_331, %get3A_335 : vector<16xf32>
          %swap3A_337 = arith.index_cast %add3A_313 : i32 to index
          %swap3A_338 = arith.constant 16 : index
          %swap3A_339 = tpu.vector_load %arg12[%swap3A_337, %swap3A_338] {strides = array<i32>} : memref<128x32xf32, #tpu.memory_space<vmem>>, vector<1x16xf32>,
          %swap3A_340 = vector.shape_cast %swap3A_339 : vector<1x16xf32> to vector<16xf32>
          %swap3A_341 = vector.shape_cast %mul3A_336 : vector<16xf32> to vector<1x16xf32>
          tpu.vector_store %arg12[%swap3A_337, %swap3A_338], %swap3A_341 {strides = array<i32>} : memref<128x32xf32, #tpu.memory_space<vmem>>, vector<1x16xf32>,
          %mul3A_342 = arith.constant 4 : i32
          %mul3A_343 = arith.muli %add3A_245, %mul3A_342 : i32
          %add3A_344 = arith.constant 3 : i32
          %add3A_345 = arith.addi %mul3A_343, %add3A_344 : i32
          %get3A_346 = arith.index_cast %add3A_345 : i32 to index
          %get3A_347 = arith.constant 0 : index
          %get3A_348 = tpu.vector_load %arg12[%get3A_346, %get3A_347] {strides = array<i32>} : memref<128x32xf32, #tpu.memory_space<vmem>>, vector<1x16xf32>,
          %get3A_349 = vector.shape_cast %get3A_348 : vector<1x16xf32> to vector<16xf32>
          %get3A_350 = arith.index_cast %add3A_245 : i32 to index
          %get3A_351 = arith.constant 96 : index
          %get3A_352 = tpu.vector_load %arg14[%get3A_350, %get3A_351] {strides = array<i32>} : memref<32x128xf32, #tpu.memory_space<vmem>>, vector<1x16xf32>,
          %get3A_353 = vector.shape_cast %get3A_352 : vector<1x16xf32> to vector<16xf32>
          %mul3A_354 = arith.mulf %get3A_349, %get3A_353 : vector<16xf32>
          %swap3A_355 = arith.index_cast %add3A_345 : i32 to index
          %swap3A_356 = arith.constant 0 : index
          %swap3A_357 = tpu.vector_load %arg12[%swap3A_355, %swap3A_356] {strides = array<i32>} : memref<128x32xf32, #tpu.memory_space<vmem>>, vector<1x16xf32>,
          %swap3A_358 = vector.shape_cast %swap3A_357 : vector<1x16xf32> to vector<16xf32>
          %swap3A_359 = vector.shape_cast %mul3A_354 : vector<16xf32> to vector<1x16xf32>
          tpu.vector_store %arg12[%swap3A_355, %swap3A_356], %swap3A_359 {strides = array<i32>} : memref<128x32xf32, #tpu.memory_space<vmem>>, vector<1x16xf32>,
          %get3A_360 = arith.index_cast %add3A_345 : i32 to index
          %get3A_361 = arith.constant 16 : index
          %get3A_362 = tpu.vector_load %arg12[%get3A_360, %get3A_361] {strides = array<i32>} : memref<128x32xf32, #tpu.memory_space<vmem>>, vector<1x16xf32>,
          %get3A_363 = vector.shape_cast %get3A_362 : vector<1x16xf32> to vector<16xf32>
          %get3A_364 = arith.index_cast %add3A_245 : i32 to index
          %get3A_365 = arith.constant 112 : index
          %get3A_366 = tpu.vector_load %arg14[%get3A_364, %get3A_365] {strides = array<i32>} : memref<32x128xf32, #tpu.memory_space<vmem>>, vector<1x16xf32>,
          %get3A_367 = vector.shape_cast %get3A_366 : vector<1x16xf32> to vector<16xf32>
          %mul3A_368 = arith.mulf %get3A_363, %get3A_367 : vector<16xf32>
          %swap3A_369 = arith.index_cast %add3A_345 : i32 to index
          %swap3A_370 = arith.constant 16 : index
          %swap3A_371 = tpu.vector_load %arg12[%swap3A_369, %swap3A_370] {strides = array<i32>} : memref<128x32xf32, #tpu.memory_space<vmem>>, vector<1x16xf32>,
          %swap3A_372 = vector.shape_cast %swap3A_371 : vector<1x16xf32> to vector<16xf32>
          %swap3A_373 = vector.shape_cast %mul3A_368 : vector<16xf32> to vector<1x16xf32>
          tpu.vector_store %arg12[%swap3A_369, %swap3A_370], %swap3A_373 {strides = array<i32>} : memref<128x32xf32, #tpu.memory_space<vmem>>, vector<1x16xf32>,
          %scan3A_374 = arith.constant 2 : i32
          %scan3A_375 = arith.addi %scan3A_109, %scan3A_374 : i32
          %mul3A_376 = arith.constant 1 : i32
          %mul3A_377 = arith.muli %scan3A_375, %mul3A_376 : i32
          %add3A_378 = arith.constant 0 : i32
          %add3A_379 = arith.addi %add3A_378, %mul3A_377 : i32
          %mul3A_380 = arith.constant 4 : i32
          %mul3A_381 = arith.muli %add3A_379, %mul3A_380 : i32
          %add3A_382 = arith.constant 0 : i32
          %add3A_383 = arith.addi %mul3A_381, %add3A_382 : i32
          %get3A_384 = arith.index_cast %add3A_383 : i32 to index
          %get3A_385 = arith.constant 0 : index
          %get3A_386 = tpu.vector_load %arg12[%get3A_384, %get3A_385] {strides = array<i32>} : memref<128x32xf32, #tpu.memory_space<vmem>>, vector<1x16xf32>,
          %get3A_387 = vector.shape_cast %get3A_386 : vector<1x16xf32> to vector<16xf32>
          %get3A_388 = arith.index_cast %add3A_379 : i32 to index
          %get3A_389 = arith.constant 0 : index
          %get3A_390 = tpu.vector_load %arg14[%get3A_388, %get3A_389] {strides = array<i32>} : memref<32x128xf32, #tpu.memory_space<vmem>>, vector<1x16xf32>,
          %get3A_391 = vector.shape_cast %get3A_390 : vector<1x16xf32> to vector<16xf32>
          %mul3A_392 = arith.mulf %get3A_387, %get3A_391 : vector<16xf32>
          %swap3A_393 = arith.index_cast %add3A_383 : i32 to index
          %swap3A_394 = arith.constant 0 : index
          %swap3A_395 = tpu.vector_load %arg12[%swap3A_393, %swap3A_394] {strides = array<i32>} : memref<128x32xf32, #tpu.memory_space<vmem>>, vector<1x16xf32>,
          %swap3A_396 = vector.shape_cast %swap3A_395 : vector<1x16xf32> to vector<16xf32>
          %swap3A_397 = vector.shape_cast %mul3A_392 : vector<16xf32> to vector<1x16xf32>
          tpu.vector_store %arg12[%swap3A_393, %swap3A_394], %swap3A_397 {strides = array<i32>} : memref<128x32xf32, #tpu.memory_space<vmem>>, vector<1x16xf32>,
          %get3A_398 = arith.index_cast %add3A_383 : i32 to index
          %get3A_399 = arith.constant 16 : index
          %get3A_400 = tpu.vector_load %arg12[%get3A_398, %get3A_399] {strides = array<i32>} : memref<128x32xf32, #tpu.memory_space<vmem>>, vector<1x16xf32>,
          %get3A_401 = vector.shape_cast %get3A_400 : vector<1x16xf32> to vector<16xf32>
          %get3A_402 = arith.index_cast %add3A_379 : i32 to index
          %get3A_403 = arith.constant 16 : index
          %get3A_404 = tpu.vector_load %arg14[%get3A_402, %get3A_403] {strides = array<i32>} : memref<32x128xf32, #tpu.memory_space<vmem>>, vector<1x16xf32>,
          %get3A_405 = vector.shape_cast %get3A_404 : vector<1x16xf32> to vector<16xf32>
          %mul3A_406 = arith.mulf %get3A_401, %get3A_405 : vector<16xf32>
          %swap3A_407 = arith.index_cast %add3A_383 : i32 to index
          %swap3A_408 = arith.constant 16 : index
          %swap3A_409 = tpu.vector_load %arg12[%swap3A_407, %swap3A_408] {strides = array<i32>} : memref<128x32xf32, #tpu.memory_space<vmem>>, vector<1x16xf32>,
          %swap3A_410 = vector.shape_cast %swap3A_409 : vector<1x16xf32> to vector<16xf32>
          %swap3A_411 = vector.shape_cast %mul3A_406 : vector<16xf32> to vector<1x16xf32>
          tpu.vector_store %arg12[%swap3A_407, %swap3A_408], %swap3A_411 {strides = array<i32>} : memref<128x32xf32, #tpu.memory_space<vmem>>, vector<1x16xf32>,
          %mul3A_412 = arith.constant 4 : i32
          %mul3A_413 = arith.muli %add3A_379, %mul3A_412 : i32
          %add3A_414 = arith.constant 1 : i32
          %add3A_415 = arith.addi %mul3A_413, %add3A_414 : i32
          %get3A_416 = arith.index_cast %add3A_415 : i32 to index
          %get3A_417 = arith.constant 0 : index
          %get3A_418 = tpu.vector_load %arg12[%get3A_416, %get3A_417] {strides = array<i32>} : memref<128x32xf32, #tpu.memory_space<vmem>>, vector<1x16xf32>,
          %get3A_419 = vector.shape_cast %get3A_418 : vector<1x16xf32> to vector<16xf32>
          %get3A_420 = arith.index_cast %add3A_379 : i32 to index
          %get3A_421 = arith.constant 32 : index
          %get3A_422 = tpu.vector_load %arg14[%get3A_420, %get3A_421] {strides = array<i32>} : memref<32x128xf32, #tpu.memory_space<vmem>>, vector<1x16xf32>,
          %get3A_423 = vector.shape_cast %get3A_422 : vector<1x16xf32> to vector<16xf32>
          %mul3A_424 = arith.mulf %get3A_419, %get3A_423 : vector<16xf32>
          %swap3A_425 = arith.index_cast %add3A_415 : i32 to index
          %swap3A_426 = arith.constant 0 : index
          %swap3A_427 = tpu.vector_load %arg12[%swap3A_425, %swap3A_426] {strides = array<i32>} : memref<128x32xf32, #tpu.memory_space<vmem>>, vector<1x16xf32>,
          %swap3A_428 = vector.shape_cast %swap3A_427 : vector<1x16xf32> to vector<16xf32>
          %swap3A_429 = vector.shape_cast %mul3A_424 : vector<16xf32> to vector<1x16xf32>
          tpu.vector_store %arg12[%swap3A_425, %swap3A_426], %swap3A_429 {strides = array<i32>} : memref<128x32xf32, #tpu.memory_space<vmem>>, vector<1x16xf32>,
          %get3A_430 = arith.index_cast %add3A_415 : i32 to index
          %get3A_431 = arith.constant 16 : index
          %get3A_432 = tpu.vector_load %arg12[%get3A_430, %get3A_431] {strides = array<i32>} : memref<128x32xf32, #tpu.memory_space<vmem>>, vector<1x16xf32>,
          %get3A_433 = vector.shape_cast %get3A_432 : vector<1x16xf32> to vector<16xf32>
          %get3A_434 = arith.index_cast %add3A_379 : i32 to index
          %get3A_435 = arith.constant 48 : index
          %get3A_436 = tpu.vector_load %arg14[%get3A_434, %get3A_435] {strides = array<i32>} : memref<32x128xf32, #tpu.memory_space<vmem>>, vector<1x16xf32>,
          %get3A_437 = vector.shape_cast %get3A_436 : vector<1x16xf32> to vector<16xf32>
          %mul3A_438 = arith.mulf %get3A_433, %get3A_437 : vector<16xf32>
          %swap3A_439 = arith.index_cast %add3A_415 : i32 to index
          %swap3A_440 = arith.constant 16 : index
          %swap3A_441 = tpu.vector_load %arg12[%swap3A_439, %swap3A_440] {strides = array<i32>} : memref<128x32xf32, #tpu.memory_space<vmem>>, vector<1x16xf32>,
          %swap3A_442 = vector.shape_cast %swap3A_441 : vector<1x16xf32> to vector<16xf32>
          %swap3A_443 = vector.shape_cast %mul3A_438 : vector<16xf32> to vector<1x16xf32>
          tpu.vector_store %arg12[%swap3A_439, %swap3A_440], %swap3A_443 {strides = array<i32>} : memref<128x32xf32, #tpu.memory_space<vmem>>, vector<1x16xf32>,
          %mul3A_444 = arith.constant 4 : i32
          %mul3A_445 = arith.muli %add3A_379, %mul3A_444 : i32
          %add3A_446 = arith.constant 2 : i32
          %add3A_447 = arith.addi %mul3A_445, %add3A_446 : i32
          %get3A_448 = arith.index_cast %add3A_447 : i32 to index
          %get3A_449 = arith.constant 0 : index
          %get3A_450 = tpu.vector_load %arg12[%get3A_448, %get3A_449] {strides = array<i32>} : memref<128x32xf32, #tpu.memory_space<vmem>>, vector<1x16xf32>,
          %get3A_451 = vector.shape_cast %get3A_450 : vector<1x16xf32> to vector<16xf32>
          %get3A_452 = arith.index_cast %add3A_379 : i32 to index
          %get3A_453 = arith.constant 64 : index
          %get3A_454 = tpu.vector_load %arg14[%get3A_452, %get3A_453] {strides = array<i32>} : memref<32x128xf32, #tpu.memory_space<vmem>>, vector<1x16xf32>,
          %get3A_455 = vector.shape_cast %get3A_454 : vector<1x16xf32> to vector<16xf32>
          %mul3A_456 = arith.mulf %get3A_451, %get3A_455 : vector<16xf32>
          %swap3A_457 = arith.index_cast %add3A_447 : i32 to index
          %swap3A_458 = arith.constant 0 : index
          %swap3A_459 = tpu.vector_load %arg12[%swap3A_457, %swap3A_458] {strides = array<i32>} : memref<128x32xf32, #tpu.memory_space<vmem>>, vector<1x16xf32>,
          %swap3A_460 = vector.shape_cast %swap3A_459 : vector<1x16xf32> to vector<16xf32>
          %swap3A_461 = vector.shape_cast %mul3A_456 : vector<16xf32> to vector<1x16xf32>
          tpu.vector_store %arg12[%swap3A_457, %swap3A_458], %swap3A_461 {strides = array<i32>} : memref<128x32xf32, #tpu.memory_space<vmem>>, vector<1x16xf32>,
          %get3A_462 = arith.index_cast %add3A_447 : i32 to index
          %get3A_463 = arith.constant 16 : index
          %get3A_464 = tpu.vector_load %arg12[%get3A_462, %get3A_463] {strides = array<i32>} : memref<128x32xf32, #tpu.memory_space<vmem>>, vector<1x16xf32>,
          %get3A_465 = vector.shape_cast %get3A_464 : vector<1x16xf32> to vector<16xf32>
          %get3A_466 = arith.index_cast %add3A_379 : i32 to index
          %get3A_467 = arith.constant 80 : index
          %get3A_468 = tpu.vector_load %arg14[%get3A_466, %get3A_467] {strides = array<i32>} : memref<32x128xf32, #tpu.memory_space<vmem>>, vector<1x16xf32>,
          %get3A_469 = vector.shape_cast %get3A_468 : vector<1x16xf32> to vector<16xf32>
          %mul3A_470 = arith.mulf %get3A_465, %get3A_469 : vector<16xf32>
          %swap3A_471 = arith.index_cast %add3A_447 : i32 to index
          %swap3A_472 = arith.constant 16 : index
          %swap3A_473 = tpu.vector_load %arg12[%swap3A_471, %swap3A_472] {strides = array<i32>} : memref<128x32xf32, #tpu.memory_space<vmem>>, vector<1x16xf32>,
          %swap3A_474 = vector.shape_cast %swap3A_473 : vector<1x16xf32> to vector<16xf32>
          %swap3A_475 = vector.shape_cast %mul3A_470 : vector<16xf32> to vector<1x16xf32>
          tpu.vector_store %arg12[%swap3A_471, %swap3A_472], %swap3A_475 {strides = array<i32>} : memref<128x32xf32, #tpu.memory_space<vmem>>, vector<1x16xf32>,
          %mul3A_476 = arith.constant 4 : i32
          %mul3A_477 = arith.muli %add3A_379, %mul3A_476 : i32
          %add3A_478 = arith.constant 3 : i32
          %add3A_479 = arith.addi %mul3A_477, %add3A_478 : i32
          %get3A_480 = arith.index_cast %add3A_479 : i32 to index
          %get3A_481 = arith.constant 0 : index
          %get3A_482 = tpu.vector_load %arg12[%get3A_480, %get3A_481] {strides = array<i32>} : memref<128x32xf32, #tpu.memory_space<vmem>>, vector<1x16xf32>,
          %get3A_483 = vector.shape_cast %get3A_482 : vector<1x16xf32> to vector<16xf32>
          %get3A_484 = arith.index_cast %add3A_379 : i32 to index
          %get3A_485 = arith.constant 96 : index
          %get3A_486 = tpu.vector_load %arg14[%get3A_484, %get3A_485] {strides = array<i32>} : memref<32x128xf32, #tpu.memory_space<vmem>>, vector<1x16xf32>,
          %get3A_487 = vector.shape_cast %get3A_486 : vector<1x16xf32> to vector<16xf32>
          %mul3A_488 = arith.mulf %get3A_483, %get3A_487 : vector<16xf32>
          %swap3A_489 = arith.index_cast %add3A_479 : i32 to index
          %swap3A_490 = arith.constant 0 : index
          %swap3A_491 = tpu.vector_load %arg12[%swap3A_489, %swap3A_490] {strides = array<i32>} : memref<128x32xf32, #tpu.memory_space<vmem>>, vector<1x16xf32>,
          %swap3A_492 = vector.shape_cast %swap3A_491 : vector<1x16xf32> to vector<16xf32>
          %swap3A_493 = vector.shape_cast %mul3A_488 : vector<16xf32> to vector<1x16xf32>
          tpu.vector_store %arg12[%swap3A_489, %swap3A_490], %swap3A_493 {strides = array<i32>} : memref<128x32xf32, #tpu.memory_space<vmem>>, vector<1x16xf32>,
          %get3A_494 = arith.index_cast %add3A_479 : i32 to index
          %get3A_495 = arith.constant 16 : index
          %get3A_496 = tpu.vector_load %arg12[%get3A_494, %get3A_495] {strides = array<i32>} : memref<128x32xf32, #tpu.memory_space<vmem>>, vector<1x16xf32>,
          %get3A_497 = vector.shape_cast %get3A_496 : vector<1x16xf32> to vector<16xf32>
          %get3A_498 = arith.index_cast %add3A_379 : i32 to index
          %get3A_499 = arith.constant 112 : index
          %get3A_500 = tpu.vector_load %arg14[%get3A_498, %get3A_499] {strides = array<i32>} : memref<32x128xf32, #tpu.memory_space<vmem>>, vector<1x16xf32>,
          %get3A_501 = vector.shape_cast %get3A_500 : vector<1x16xf32> to vector<16xf32>
          %mul3A_502 = arith.mulf %get3A_497, %get3A_501 : vector<16xf32>
          %swap3A_503 = arith.index_cast %add3A_479 : i32 to index
          %swap3A_504 = arith.constant 16 : index
          %swap3A_505 = tpu.vector_load %arg12[%swap3A_503, %swap3A_504] {strides = array<i32>} : memref<128x32xf32, #tpu.memory_space<vmem>>, vector<1x16xf32>,
          %swap3A_506 = vector.shape_cast %swap3A_505 : vector<1x16xf32> to vector<16xf32>
          %swap3A_507 = vector.shape_cast %mul3A_502 : vector<16xf32> to vector<1x16xf32>
          tpu.vector_store %arg12[%swap3A_503, %swap3A_504], %swap3A_507 {strides = array<i32>} : memref<128x32xf32, #tpu.memory_space<vmem>>, vector<1x16xf32>,
          %scan3A_508 = arith.constant 3 : i32
          %scan3A_509 = arith.addi %scan3A_109, %scan3A_508 : i32
          %mul3A_510 = arith.constant 1 : i32
          %mul3A_511 = arith.muli %scan3A_509, %mul3A_510 : i32
          %add3A_512 = arith.constant 0 : i32
          %add3A_513 = arith.addi %add3A_512, %mul3A_511 : i32
          %mul3A_514 = arith.constant 4 : i32
          %mul3A_515 = arith.muli %add3A_513, %mul3A_514 : i32
          %add3A_516 = arith.constant 0 : i32
          %add3A_517 = arith.addi %mul3A_515, %add3A_516 : i32
          %get3A_518 = arith.index_cast %add3A_517 : i32 to index
          %get3A_519 = arith.constant 0 : index
          %get3A_520 = tpu.vector_load %arg12[%get3A_518, %get3A_519] {strides = array<i32>} : memref<128x32xf32, #tpu.memory_space<vmem>>, vector<1x16xf32>,
          %get3A_521 = vector.shape_cast %get3A_520 : vector<1x16xf32> to vector<16xf32>
          %get3A_522 = arith.index_cast %add3A_513 : i32 to index
          %get3A_523 = arith.constant 0 : index
          %get3A_524 = tpu.vector_load %arg14[%get3A_522, %get3A_523] {strides = array<i32>} : memref<32x128xf32, #tpu.memory_space<vmem>>, vector<1x16xf32>,
          %get3A_525 = vector.shape_cast %get3A_524 : vector<1x16xf32> to vector<16xf32>
          %mul3A_526 = arith.mulf %get3A_521, %get3A_525 : vector<16xf32>
          %swap3A_527 = arith.index_cast %add3A_517 : i32 to index
          %swap3A_528 = arith.constant 0 : index
          %swap3A_529 = tpu.vector_load %arg12[%swap3A_527, %swap3A_528] {strides = array<i32>} : memref<128x32xf32, #tpu.memory_space<vmem>>, vector<1x16xf32>,
          %swap3A_530 = vector.shape_cast %swap3A_529 : vector<1x16xf32> to vector<16xf32>
          %swap3A_531 = vector.shape_cast %mul3A_526 : vector<16xf32> to vector<1x16xf32>
          tpu.vector_store %arg12[%swap3A_527, %swap3A_528], %swap3A_531 {strides = array<i32>} : memref<128x32xf32, #tpu.memory_space<vmem>>, vector<1x16xf32>,
          %get3A_532 = arith.index_cast %add3A_517 : i32 to index
          %get3A_533 = arith.constant 16 : index
          %get3A_534 = tpu.vector_load %arg12[%get3A_532, %get3A_533] {strides = array<i32>} : memref<128x32xf32, #tpu.memory_space<vmem>>, vector<1x16xf32>,
          %get3A_535 = vector.shape_cast %get3A_534 : vector<1x16xf32> to vector<16xf32>
          %get3A_536 = arith.index_cast %add3A_513 : i32 to index
          %get3A_537 = arith.constant 16 : index
          %get3A_538 = tpu.vector_load %arg14[%get3A_536, %get3A_537] {strides = array<i32>} : memref<32x128xf32, #tpu.memory_space<vmem>>, vector<1x16xf32>,
          %get3A_539 = vector.shape_cast %get3A_538 : vector<1x16xf32> to vector<16xf32>
          %mul3A_540 = arith.mulf %get3A_535, %get3A_539 : vector<16xf32>
          %swap3A_541 = arith.index_cast %add3A_517 : i32 to index
          %swap3A_542 = arith.constant 16 : index
          %swap3A_543 = tpu.vector_load %arg12[%swap3A_541, %swap3A_542] {strides = array<i32>} : memref<128x32xf32, #tpu.memory_space<vmem>>, vector<1x16xf32>,
          %swap3A_544 = vector.shape_cast %swap3A_543 : vector<1x16xf32> to vector<16xf32>
          %swap3A_545 = vector.shape_cast %mul3A_540 : vector<16xf32> to vector<1x16xf32>
          tpu.vector_store %arg12[%swap3A_541, %swap3A_542], %swap3A_545 {strides = array<i32>} : memref<128x32xf32, #tpu.memory_space<vmem>>, vector<1x16xf32>,
          %mul3A_546 = arith.constant 4 : i32
          %mul3A_547 = arith.muli %add3A_513, %mul3A_546 : i32
          %add3A_548 = arith.constant 1 : i32
          %add3A_549 = arith.addi %mul3A_547, %add3A_548 : i32
          %get3A_550 = arith.index_cast %add3A_549 : i32 to index
          %get3A_551 = arith.constant 0 : index
          %get3A_552 = tpu.vector_load %arg12[%get3A_550, %get3A_551] {strides = array<i32>} : memref<128x32xf32, #tpu.memory_space<vmem>>, vector<1x16xf32>,
          %get3A_553 = vector.shape_cast %get3A_552 : vector<1x16xf32> to vector<16xf32>
          %get3A_554 = arith.index_cast %add3A_513 : i32 to index
          %get3A_555 = arith.constant 32 : index
          %get3A_556 = tpu.vector_load %arg14[%get3A_554, %get3A_555] {strides = array<i32>} : memref<32x128xf32, #tpu.memory_space<vmem>>, vector<1x16xf32>,
          %get3A_557 = vector.shape_cast %get3A_556 : vector<1x16xf32> to vector<16xf32>
          %mul3A_558 = arith.mulf %get3A_553, %get3A_557 : vector<16xf32>
          %swap3A_559 = arith.index_cast %add3A_549 : i32 to index
          %swap3A_560 = arith.constant 0 : index
          %swap3A_561 = tpu.vector_load %arg12[%swap3A_559, %swap3A_560] {strides = array<i32>} : memref<128x32xf32, #tpu.memory_space<vmem>>, vector<1x16xf32>,
          %swap3A_562 = vector.shape_cast %swap3A_561 : vector<1x16xf32> to vector<16xf32>
          %swap3A_563 = vector.shape_cast %mul3A_558 : vector<16xf32> to vector<1x16xf32>
          tpu.vector_store %arg12[%swap3A_559, %swap3A_560], %swap3A_563 {strides = array<i32>} : memref<128x32xf32, #tpu.memory_space<vmem>>, vector<1x16xf32>,
          %get3A_564 = arith.index_cast %add3A_549 : i32 to index
          %get3A_565 = arith.constant 16 : index
          %get3A_566 = tpu.vector_load %arg12[%get3A_564, %get3A_565] {strides = array<i32>} : memref<128x32xf32, #tpu.memory_space<vmem>>, vector<1x16xf32>,
          %get3A_567 = vector.shape_cast %get3A_566 : vector<1x16xf32> to vector<16xf32>
          %get3A_568 = arith.index_cast %add3A_513 : i32 to index
          %get3A_569 = arith.constant 48 : index
          %get3A_570 = tpu.vector_load %arg14[%get3A_568, %get3A_569] {strides = array<i32>} : memref<32x128xf32, #tpu.memory_space<vmem>>, vector<1x16xf32>,
          %get3A_571 = vector.shape_cast %get3A_570 : vector<1x16xf32> to vector<16xf32>
          %mul3A_572 = arith.mulf %get3A_567, %get3A_571 : vector<16xf32>
          %swap3A_573 = arith.index_cast %add3A_549 : i32 to index
          %swap3A_574 = arith.constant 16 : index
          %swap3A_575 = tpu.vector_load %arg12[%swap3A_573, %swap3A_574] {strides = array<i32>} : memref<128x32xf32, #tpu.memory_space<vmem>>, vector<1x16xf32>,
          %swap3A_576 = vector.shape_cast %swap3A_575 : vector<1x16xf32> to vector<16xf32>
          %swap3A_577 = vector.shape_cast %mul3A_572 : vector<16xf32> to vector<1x16xf32>
          tpu.vector_store %arg12[%swap3A_573, %swap3A_574], %swap3A_577 {strides = array<i32>} : memref<128x32xf32, #tpu.memory_space<vmem>>, vector<1x16xf32>,
          %mul3A_578 = arith.constant 4 : i32
          %mul3A_579 = arith.muli %add3A_513, %mul3A_578 : i32
          %add3A_580 = arith.constant 2 : i32
          %add3A_581 = arith.addi %mul3A_579, %add3A_580 : i32
          %get3A_582 = arith.index_cast %add3A_581 : i32 to index
          %get3A_583 = arith.constant 0 : index
          %get3A_584 = tpu.vector_load %arg12[%get3A_582, %get3A_583] {strides = array<i32>} : memref<128x32xf32, #tpu.memory_space<vmem>>, vector<1x16xf32>,
          %get3A_585 = vector.shape_cast %get3A_584 : vector<1x16xf32> to vector<16xf32>
          %get3A_586 = arith.index_cast %add3A_513 : i32 to index
          %get3A_587 = arith.constant 64 : index
          %get3A_588 = tpu.vector_load %arg14[%get3A_586, %get3A_587] {strides = array<i32>} : memref<32x128xf32, #tpu.memory_space<vmem>>, vector<1x16xf32>,
          %get3A_589 = vector.shape_cast %get3A_588 : vector<1x16xf32> to vector<16xf32>
          %mul3A_590 = arith.mulf %get3A_585, %get3A_589 : vector<16xf32>
          %swap3A_591 = arith.index_cast %add3A_581 : i32 to index
          %swap3A_592 = arith.constant 0 : index
          %swap3A_593 = tpu.vector_load %arg12[%swap3A_591, %swap3A_592] {strides = array<i32>} : memref<128x32xf32, #tpu.memory_space<vmem>>, vector<1x16xf32>,
          %swap3A_594 = vector.shape_cast %swap3A_593 : vector<1x16xf32> to vector<16xf32>
          %swap3A_595 = vector.shape_cast %mul3A_590 : vector<16xf32> to vector<1x16xf32>
          tpu.vector_store %arg12[%swap3A_591, %swap3A_592], %swap3A_595 {strides = array<i32>} : memref<128x32xf32, #tpu.memory_space<vmem>>, vector<1x16xf32>,
          %get3A_596 = arith.index_cast %add3A_581 : i32 to index
          %get3A_597 = arith.constant 16 : index
          %get3A_598 = tpu.vector_load %arg12[%get3A_596, %get3A_597] {strides = array<i32>} : memref<128x32xf32, #tpu.memory_space<vmem>>, vector<1x16xf32>,
          %get3A_599 = vector.shape_cast %get3A_598 : vector<1x16xf32> to vector<16xf32>
          %get3A_600 = arith.index_cast %add3A_513 : i32 to index
          %get3A_601 = arith.constant 80 : index
          %get3A_602 = tpu.vector_load %arg14[%get3A_600, %get3A_601] {strides = array<i32>} : memref<32x128xf32, #tpu.memory_space<vmem>>, vector<1x16xf32>,
          %get3A_603 = vector.shape_cast %get3A_602 : vector<1x16xf32> to vector<16xf32>
          %mul3A_604 = arith.mulf %get3A_599, %get3A_603 : vector<16xf32>
          %swap3A_605 = arith.index_cast %add3A_581 : i32 to index
          %swap3A_606 = arith.constant 16 : index
          %swap3A_607 = tpu.vector_load %arg12[%swap3A_605, %swap3A_606] {strides = array<i32>} : memref<128x32xf32, #tpu.memory_space<vmem>>, vector<1x16xf32>,
          %swap3A_608 = vector.shape_cast %swap3A_607 : vector<1x16xf32> to vector<16xf32>
          %swap3A_609 = vector.shape_cast %mul3A_604 : vector<16xf32> to vector<1x16xf32>
          tpu.vector_store %arg12[%swap3A_605, %swap3A_606], %swap3A_609 {strides = array<i32>} : memref<128x32xf32, #tpu.memory_space<vmem>>, vector<1x16xf32>,
          %mul3A_610 = arith.constant 4 : i32
          %mul3A_611 = arith.muli %add3A_513, %mul3A_610 : i32
          %add3A_612 = arith.constant 3 : i32
          %add3A_613 = arith.addi %mul3A_611, %add3A_612 : i32
          %get3A_614 = arith.index_cast %add3A_613 : i32 to index
          %get3A_615 = arith.constant 0 : index
          %get3A_616 = tpu.vector_load %arg12[%get3A_614, %get3A_615] {strides = array<i32>} : memref<128x32xf32, #tpu.memory_space<vmem>>, vector<1x16xf32>,
          %get3A_617 = vector.shape_cast %get3A_616 : vector<1x16xf32> to vector<16xf32>
          %get3A_618 = arith.index_cast %add3A_513 : i32 to index
          %get3A_619 = arith.constant 96 : index
          %get3A_620 = tpu.vector_load %arg14[%get3A_618, %get3A_619] {strides = array<i32>} : memref<32x128xf32, #tpu.memory_space<vmem>>, vector<1x16xf32>,
          %get3A_621 = vector.shape_cast %get3A_620 : vector<1x16xf32> to vector<16xf32>
          %mul3A_622 = arith.mulf %get3A_617, %get3A_621 : vector<16xf32>
          %swap3A_623 = arith.index_cast %add3A_613 : i32 to index
          %swap3A_624 = arith.constant 0 : index
          %swap3A_625 = tpu.vector_load %arg12[%swap3A_623, %swap3A_624] {strides = array<i32>} : memref<128x32xf32, #tpu.memory_space<vmem>>, vector<1x16xf32>,
          %swap3A_626 = vector.shape_cast %swap3A_625 : vector<1x16xf32> to vector<16xf32>
          %swap3A_627 = vector.shape_cast %mul3A_622 : vector<16xf32> to vector<1x16xf32>
          tpu.vector_store %arg12[%swap3A_623, %swap3A_624], %swap3A_627 {strides = array<i32>} : memref<128x32xf32, #tpu.memory_space<vmem>>, vector<1x16xf32>,
          %get3A_628 = arith.index_cast %add3A_613 : i32 to index
          %get3A_629 = arith.constant 16 : index
          %get3A_630 = tpu.vector_load %arg12[%get3A_628, %get3A_629] {strides = array<i32>} : memref<128x32xf32, #tpu.memory_space<vmem>>, vector<1x16xf32>,
          %get3A_631 = vector.shape_cast %get3A_630 : vector<1x16xf32> to vector<16xf32>
          %get3A_632 = arith.index_cast %add3A_513 : i32 to index
          %get3A_633 = arith.constant 112 : index
          %get3A_634 = tpu.vector_load %arg14[%get3A_632, %get3A_633] {strides = array<i32>} : memref<32x128xf32, #tpu.memory_space<vmem>>, vector<1x16xf32>,
          %get3A_635 = vector.shape_cast %get3A_634 : vector<1x16xf32> to vector<16xf32>
          %mul3A_636 = arith.mulf %get3A_631, %get3A_635 : vector<16xf32>
          %swap3A_637 = arith.index_cast %add3A_613 : i32 to index
          %swap3A_638 = arith.constant 16 : index
          %swap3A_639 = tpu.vector_load %arg12[%swap3A_637, %swap3A_638] {strides = array<i32>} : memref<128x32xf32, #tpu.memory_space<vmem>>, vector<1x16xf32>,
          %swap3A_640 = vector.shape_cast %swap3A_639 : vector<1x16xf32> to vector<16xf32>
          %swap3A_641 = vector.shape_cast %mul3A_636 : vector<16xf32> to vector<1x16xf32>
          tpu.vector_store %arg12[%swap3A_637, %swap3A_638], %swap3A_641 {strides = array<i32>} : memref<128x32xf32, #tpu.memory_space<vmem>>, vector<1x16xf32>,
        }
        %scan3A_80 = arith.constant 32 : i32
        "tpu.region"() ({
          %run_scoped3A = tpu.sem_alloc : memref<!tpu.dma_semaphore, #tpu.memory_space<semaphore_mem>>
          %dma_start3A = arith.constant 0 : i32
          %dma_start3A_109 = tpu.memref_slice %arg11[%add3A_58, %dma_start3A] : memref<16x128xi32, #tpu.memory_space<vmem>> -> memref<1x128xi32, #tpu.memory_space<vmem>>
          %dma_start3A_110 = tpu.memref_squeeze %dma_start3A_109 : memref<1x128xi32, #tpu.memory_space<vmem>> -> memref<128xi32, #tpu.memory_space<vmem>>
          %dma_start3A_111 = arith.constant 0 : i32
          %dma_start3A_112 = arith.constant 0 : i32
          %dma_start3A_113 = tpu.memref_slice %arg9[%dma_start3A_111, %dma_start3A_112] : memref<50048x32xf32, #tpu.memory_space<vmem_shared>> -> memref<50048x32xf32, #tpu.memory_space<vmem_shared>>
          tpu.enqueue_indirect_dma source(%arg12 : memref<128x32xf32, #tpu.memory_space<vmem>>) target(%dma_start3A_113 : memref<50048x32xf32, #tpu.memory_space<vmem_shared>>) offsets(%dma_start3A_110 : memref<128xi32, #tpu.memory_space<vmem>>) semaphore(%run_scoped3A : memref<!tpu.dma_semaphore, #tpu.memory_space<semaphore_mem>>) {add = true}
          %dma_wait3A_114 = arith.constant 0 : i32
          %dma_wait3A_115 = tpu.memref_slice %arg11[%add3A_58, %dma_wait3A_114] : memref<16x128xi32, #tpu.memory_space<vmem>> -> memref<1x128xi32, #tpu.memory_space<vmem>>
          %dma_wait3A_116 = tpu.memref_squeeze %dma_wait3A_115 : memref<1x128xi32, #tpu.memory_space<vmem>> -> memref<128xi32, #tpu.memory_space<vmem>>
          %dma_wait3A_117 = arith.constant 0 : i32
          %dma_wait3A_118 = arith.constant 0 : i32
          %dma_wait3A_119 = tpu.memref_slice %arg9[%dma_wait3A_117, %dma_wait3A_118] : memref<50048x32xf32, #tpu.memory_space<vmem_shared>> -> memref<50048x32xf32, #tpu.memory_space<vmem_shared>>
          tpu.wait_indirect_dma semaphore(%run_scoped3A : memref<!tpu.dma_semaphore, #tpu.memory_space<semaphore_mem>>) src(%arg12 : memref<128x32xf32, #tpu.memory_space<vmem>>) dst(%dma_wait3A_119 : memref<50048x32xf32, #tpu.memory_space<vmem_shared>>)
          tpu.yield
        }) : () -> ()
        %mul3A_81 = arith.constant 2 : i32
        %mul3A_82 = arith.muli %add3A_54, %mul3A_81 : i32
        %add3A_83 = arith.constant 1 : i32
        %add3A_84 = arith.addi %mul3A_82, %add3A_83 : i32
        %add3A_85 = arith.constant 1 : i32
        %add3A_86 = arith.addi %add3A_84, %add3A_85 : i32
        %lt3A_87 = arith.constant 16 : i32
        %lt3A_88 = arith.cmpi slt, %add3A_86, %lt3A_87 : i32
        %convert_element_type3A_89 = arith.extui %lt3A_88 : i1 to i32
        %cond3A_90 = arith.constant 0 : i32
        %cond3A_91 = arith.cmpi ne, %convert_element_type3A_89, %cond3A_90 : i32
        scf.if %cond3A_91 {
          %add3A_109 = arith.constant 1 : i32
          %add3A_110 = arith.addi %add3A_84, %add3A_109 : i32
          %eq3A_111 = arith.constant 0 : i32
          %eq3A_112 = arith.cmpi eq, %arg0, %eq3A_111 : i32
          %convert_element_type3A_113 = arith.extui %eq3A_112 : i1 to i32
          %cond3A_114 = arith.constant 0 : i32
          %cond3A_115 = arith.cmpi ne, %convert_element_type3A_113, %cond3A_114 : i32
          scf.if %cond3A_115 {
            %dma_start3A = arith.constant 0 : i32
            %dma_start3A_133 = tpu.memref_slice %arg10[%add3A_110, %dma_start3A] : memref<16x128xi32, #tpu.memory_space<vmem>> -> memref<1x128xi32, #tpu.memory_space<vmem>>
            %dma_start3A_134 = tpu.memref_squeeze %dma_start3A_133 : memref<1x128xi32, #tpu.memory_space<vmem>> -> memref<128xi32, #tpu.memory_space<vmem>>
            %dma_start3A_135 = arith.constant 0 : i32
            %dma_start3A_136 = arith.constant 0 : i32
            %dma_start3A_137 = tpu.memref_slice %arg2[%dma_start3A_135, %dma_start3A_136] : memref<50000x32xf32, #tpu.memory_space<hbm>> -> memref<50000x32xf32, #tpu.memory_space<hbm>>
            tpu.enqueue_indirect_dma source(%dma_start3A_137 : memref<50000x32xf32, #tpu.memory_space<hbm>>) target(%arg12 : memref<128x32xf32, #tpu.memory_space<vmem>>) offsets(%dma_start3A_134 : memref<128xi32, #tpu.memory_space<vmem>>) semaphore(%arg16 : memref<!tpu.dma_semaphore, #tpu.memory_space<semaphore_mem>>)
          } else {
          }
          %eq3A_116 = arith.constant 1 : i32
          %eq3A_117 = arith.cmpi eq, %arg0, %eq3A_116 : i32
          %convert_element_type3A_118 = arith.extui %eq3A_117 : i1 to i32
          %cond3A_119 = arith.constant 0 : i32
          %cond3A_120 = arith.cmpi ne, %convert_element_type3A_118, %cond3A_119 : i32
          scf.if %cond3A_120 {
            %dma_start3A = arith.constant 0 : i32
            %dma_start3A_133 = tpu.memref_slice %arg10[%add3A_110, %dma_start3A] : memref<16x128xi32, #tpu.memory_space<vmem>> -> memref<1x128xi32, #tpu.memory_space<vmem>>
            %dma_start3A_134 = tpu.memref_squeeze %dma_start3A_133 : memref<1x128xi32, #tpu.memory_space<vmem>> -> memref<128xi32, #tpu.memory_space<vmem>>
            %dma_start3A_135 = arith.constant 0 : i32
            %dma_start3A_136 = arith.constant 0 : i32
            %dma_start3A_137 = tpu.memref_slice %arg3[%dma_start3A_135, %dma_start3A_136] : memref<50000x32xf32, #tpu.memory_space<hbm>> -> memref<50000x32xf32, #tpu.memory_space<hbm>>
            tpu.enqueue_indirect_dma source(%dma_start3A_137 : memref<50000x32xf32, #tpu.memory_space<hbm>>) target(%arg12 : memref<128x32xf32, #tpu.memory_space<vmem>>) offsets(%dma_start3A_134 : memref<128xi32, #tpu.memory_space<vmem>>) semaphore(%arg16 : memref<!tpu.dma_semaphore, #tpu.memory_space<semaphore_mem>>)
          } else {
          }
          %add3A_121 = arith.constant 1 : i32
          %add3A_122 = arith.addi %add3A_84, %add3A_121 : i32
          %eq3A_123 = arith.constant 0 : i32
          %eq3A_124 = arith.cmpi eq, %arg0, %eq3A_123 : i32
          %convert_element_type3A_125 = arith.extui %eq3A_124 : i1 to i32
          %cond3A_126 = arith.constant 0 : i32
          %cond3A_127 = arith.cmpi ne, %convert_element_type3A_125, %cond3A_126 : i32
          scf.if %cond3A_127 {
            %add3A_133 = arith.addi %add3A_27, %add3A_122 : i32
            %mul3A_134 = arith.constant 32 : i32
            %mul3A_135 = arith.muli %add3A_133, %mul3A_134 : i32
            %dma_start3A = arith.constant 0 : i32
            %dma_start3A_136 = tpu.memref_slice %arg6[%mul3A_135, %dma_start3A] : memref<204800x128xf32, #tpu.memory_space<hbm>> -> memref<32x128xf32, #tpu.memory_space<hbm>>
            %dma_start3A_137 = arith.constant 0 : i32
            %dma_start3A_138 = tpu.memref_slice %arg6[%mul3A_135, %dma_start3A_137] : memref<204800x128xf32, #tpu.memory_space<hbm>> -> memref<32x128xf32, #tpu.memory_space<hbm>>
            tpu.enqueue_dma source(%dma_start3A_138 : memref<32x128xf32, #tpu.memory_space<hbm>>) target(%arg14 : memref<32x128xf32, #tpu.memory_space<vmem>>) target_semaphore(%arg18 : memref<!tpu.dma_semaphore, #tpu.memory_space<semaphore_mem>>)
          } else {
          }
          %eq3A_128 = arith.constant 1 : i32
          %eq3A_129 = arith.cmpi eq, %arg0, %eq3A_128 : i32
          %convert_element_type3A_130 = arith.extui %eq3A_129 : i1 to i32
          %cond3A_131 = arith.constant 0 : i32
          %cond3A_132 = arith.cmpi ne, %convert_element_type3A_130, %cond3A_131 : i32
          scf.if %cond3A_132 {
            %add3A_133 = arith.addi %add3A_27, %add3A_122 : i32
            %mul3A_134 = arith.constant 32 : i32
            %mul3A_135 = arith.muli %add3A_133, %mul3A_134 : i32
            %dma_start3A = arith.constant 0 : i32
            %dma_start3A_136 = tpu.memref_slice %arg7[%mul3A_135, %dma_start3A] : memref<204800x128xf32, #tpu.memory_space<hbm>> -> memref<32x128xf32, #tpu.memory_space<hbm>>
            %dma_start3A_137 = arith.constant 0 : i32
            %dma_start3A_138 = tpu.memref_slice %arg7[%mul3A_135, %dma_start3A_137] : memref<204800x128xf32, #tpu.memory_space<hbm>> -> memref<32x128xf32, #tpu.memory_space<hbm>>
            tpu.enqueue_dma source(%dma_start3A_138 : memref<32x128xf32, #tpu.memory_space<hbm>>) target(%arg14 : memref<32x128xf32, #tpu.memory_space<vmem>>) target_semaphore(%arg18 : memref<!tpu.dma_semaphore, #tpu.memory_space<semaphore_mem>>)
          } else {
          }
        } else {
        }
        %dma_wait3A_92 = arith.constant 0 : i32
        %dma_wait3A_93 = tpu.memref_slice %arg10[%add3A_84, %dma_wait3A_92] : memref<16x128xi32, #tpu.memory_space<vmem>> -> memref<1x128xi32, #tpu.memory_space<vmem>>
        %dma_wait3A_94 = tpu.memref_squeeze %dma_wait3A_93 : memref<1x128xi32, #tpu.memory_space<vmem>> -> memref<128xi32, #tpu.memory_space<vmem>>
        %dma_wait3A_95 = arith.constant 0 : i32
        %dma_wait3A_96 = arith.constant 0 : i32
        %dma_wait3A_97 = tpu.memref_slice %arg2[%dma_wait3A_95, %dma_wait3A_96] : memref<50000x32xf32, #tpu.memory_space<hbm>> -> memref<50000x32xf32, #tpu.memory_space<hbm>>
        tpu.wait_indirect_dma semaphore(%arg17 : memref<!tpu.dma_semaphore, #tpu.memory_space<semaphore_mem>>) src(%dma_wait3A_97 : memref<50000x32xf32, #tpu.memory_space<hbm>>) dst(%arg13 : memref<128x32xf32, #tpu.memory_space<vmem>>)
        %dma_wait3A_98 = arith.constant 0 : i32
        %dma_wait3A_99 = arith.constant 0 : i32
        %dma_wait3A_100 = tpu.memref_slice %arg6[%dma_wait3A_98, %dma_wait3A_99] : memref<204800x128xf32, #tpu.memory_space<hbm>> -> memref<32x128xf32, #tpu.memory_space<hbm>>
        %dma_wait3A_101 = arith.constant 0 : i32
        %dma_wait3A_102 = arith.constant 0 : i32
        %dma_wait3A_103 = tpu.memref_slice %arg6[%dma_wait3A_101, %dma_wait3A_102] : memref<204800x128xf32, #tpu.memory_space<hbm>> -> memref<32x128xf32, #tpu.memory_space<hbm>>
        tpu.wait_dma2 semaphore(%arg19 : memref<!tpu.dma_semaphore, #tpu.memory_space<semaphore_mem>>) src(%dma_wait3A_103 : memref<32x128xf32, #tpu.memory_space<hbm>>) dst(%arg15 : memref<32x128xf32, #tpu.memory_space<vmem>>)
        %scan3A_104 = arith.constant 0 : i32
        %scan3A_105 = arith.constant 32 : i32
        %scan3A_106 = arith.addi %scan3A_104, %scan3A_105 : i32
        %scan3A_107 = arith.constant 4 : i32
        scf.for %scan3A_109 = %scan3A_104 to %scan3A_106 step %scan3A_107  : i32 {
          %mul3A_110 = arith.constant 1 : i32
          %mul3A_111 = arith.muli %scan3A_109, %mul3A_110 : i32
          %add3A_112 = arith.constant 0 : i32
          %add3A_113 = arith.addi %add3A_112, %mul3A_111 : i32
          %mul3A_114 = arith.constant 4 : i32
          %mul3A_115 = arith.muli %add3A_113, %mul3A_114 : i32
          %add3A_116 = arith.constant 0 : i32
          %add3A_117 = arith.addi %mul3A_115, %add3A_116 : i32
          %get3A = arith.index_cast %add3A_117 : i32 to index
          %get3A_118 = arith.constant 0 : index
          %get3A_119 = tpu.vector_load %arg13[%get3A, %get3A_118] {strides = array<i32>} : memref<128x32xf32, #tpu.memory_space<vmem>>, vector<1x16xf32>,
          %get3A_120 = vector.shape_cast %get3A_119 : vector<1x16xf32> to vector<16xf32>
          %get3A_121 = arith.index_cast %add3A_113 : i32 to index
          %get3A_122 = arith.constant 0 : index
          %get3A_123 = tpu.vector_load %arg15[%get3A_121, %get3A_122] {strides = array<i32>} : memref<32x128xf32, #tpu.memory_space<vmem>>, vector<1x16xf32>,
          %get3A_124 = vector.shape_cast %get3A_123 : vector<1x16xf32> to vector<16xf32>
          %mul3A_125 = arith.mulf %get3A_120, %get3A_124 : vector<16xf32>
          %swap3A = arith.index_cast %add3A_117 : i32 to index
          %swap3A_126 = arith.constant 0 : index
          %swap3A_127 = tpu.vector_load %arg13[%swap3A, %swap3A_126] {strides = array<i32>} : memref<128x32xf32, #tpu.memory_space<vmem>>, vector<1x16xf32>,
          %swap3A_128 = vector.shape_cast %swap3A_127 : vector<1x16xf32> to vector<16xf32>
          %swap3A_129 = vector.shape_cast %mul3A_125 : vector<16xf32> to vector<1x16xf32>
          tpu.vector_store %arg13[%swap3A, %swap3A_126], %swap3A_129 {strides = array<i32>} : memref<128x32xf32, #tpu.memory_space<vmem>>, vector<1x16xf32>,
          %get3A_130 = arith.index_cast %add3A_117 : i32 to index
          %get3A_131 = arith.constant 16 : index
          %get3A_132 = tpu.vector_load %arg13[%get3A_130, %get3A_131] {strides = array<i32>} : memref<128x32xf32, #tpu.memory_space<vmem>>, vector<1x16xf32>,
          %get3A_133 = vector.shape_cast %get3A_132 : vector<1x16xf32> to vector<16xf32>
          %get3A_134 = arith.index_cast %add3A_113 : i32 to index
          %get3A_135 = arith.constant 16 : index
          %get3A_136 = tpu.vector_load %arg15[%get3A_134, %get3A_135] {strides = array<i32>} : memref<32x128xf32, #tpu.memory_space<vmem>>, vector<1x16xf32>,
          %get3A_137 = vector.shape_cast %get3A_136 : vector<1x16xf32> to vector<16xf32>
          %mul3A_138 = arith.mulf %get3A_133, %get3A_137 : vector<16xf32>
          %swap3A_139 = arith.index_cast %add3A_117 : i32 to index
          %swap3A_140 = arith.constant 16 : index
          %swap3A_141 = tpu.vector_load %arg13[%swap3A_139, %swap3A_140] {strides = array<i32>} : memref<128x32xf32, #tpu.memory_space<vmem>>, vector<1x16xf32>,
          %swap3A_142 = vector.shape_cast %swap3A_141 : vector<1x16xf32> to vector<16xf32>
          %swap3A_143 = vector.shape_cast %mul3A_138 : vector<16xf32> to vector<1x16xf32>
          tpu.vector_store %arg13[%swap3A_139, %swap3A_140], %swap3A_143 {strides = array<i32>} : memref<128x32xf32, #tpu.memory_space<vmem>>, vector<1x16xf32>,
          %mul3A_144 = arith.constant 4 : i32
          %mul3A_145 = arith.muli %add3A_113, %mul3A_144 : i32
          %add3A_146 = arith.constant 1 : i32
          %add3A_147 = arith.addi %mul3A_145, %add3A_146 : i32
          %get3A_148 = arith.index_cast %add3A_147 : i32 to index
          %get3A_149 = arith.constant 0 : index
          %get3A_150 = tpu.vector_load %arg13[%get3A_148, %get3A_149] {strides = array<i32>} : memref<128x32xf32, #tpu.memory_space<vmem>>, vector<1x16xf32>,
          %get3A_151 = vector.shape_cast %get3A_150 : vector<1x16xf32> to vector<16xf32>
          %get3A_152 = arith.index_cast %add3A_113 : i32 to index
          %get3A_153 = arith.constant 32 : index
          %get3A_154 = tpu.vector_load %arg15[%get3A_152, %get3A_153] {strides = array<i32>} : memref<32x128xf32, #tpu.memory_space<vmem>>, vector<1x16xf32>,
          %get3A_155 = vector.shape_cast %get3A_154 : vector<1x16xf32> to vector<16xf32>
          %mul3A_156 = arith.mulf %get3A_151, %get3A_155 : vector<16xf32>
          %swap3A_157 = arith.index_cast %add3A_147 : i32 to index
          %swap3A_158 = arith.constant 0 : index
          %swap3A_159 = tpu.vector_load %arg13[%swap3A_157, %swap3A_158] {strides = array<i32>} : memref<128x32xf32, #tpu.memory_space<vmem>>, vector<1x16xf32>,
          %swap3A_160 = vector.shape_cast %swap3A_159 : vector<1x16xf32> to vector<16xf32>
          %swap3A_161 = vector.shape_cast %mul3A_156 : vector<16xf32> to vector<1x16xf32>
          tpu.vector_store %arg13[%swap3A_157, %swap3A_158], %swap3A_161 {strides = array<i32>} : memref<128x32xf32, #tpu.memory_space<vmem>>, vector<1x16xf32>,
          %get3A_162 = arith.index_cast %add3A_147 : i32 to index
          %get3A_163 = arith.constant 16 : index
          %get3A_164 = tpu.vector_load %arg13[%get3A_162, %get3A_163] {strides = array<i32>} : memref<128x32xf32, #tpu.memory_space<vmem>>, vector<1x16xf32>,
          %get3A_165 = vector.shape_cast %get3A_164 : vector<1x16xf32> to vector<16xf32>
          %get3A_166 = arith.index_cast %add3A_113 : i32 to index
          %get3A_167 = arith.constant 48 : index
          %get3A_168 = tpu.vector_load %arg15[%get3A_166, %get3A_167] {strides = array<i32>} : memref<32x128xf32, #tpu.memory_space<vmem>>, vector<1x16xf32>,
          %get3A_169 = vector.shape_cast %get3A_168 : vector<1x16xf32> to vector<16xf32>
          %mul3A_170 = arith.mulf %get3A_165, %get3A_169 : vector<16xf32>
          %swap3A_171 = arith.index_cast %add3A_147 : i32 to index
          %swap3A_172 = arith.constant 16 : index
          %swap3A_173 = tpu.vector_load %arg13[%swap3A_171, %swap3A_172] {strides = array<i32>} : memref<128x32xf32, #tpu.memory_space<vmem>>, vector<1x16xf32>,
          %swap3A_174 = vector.shape_cast %swap3A_173 : vector<1x16xf32> to vector<16xf32>
          %swap3A_175 = vector.shape_cast %mul3A_170 : vector<16xf32> to vector<1x16xf32>
          tpu.vector_store %arg13[%swap3A_171, %swap3A_172], %swap3A_175 {strides = array<i32>} : memref<128x32xf32, #tpu.memory_space<vmem>>, vector<1x16xf32>,
          %mul3A_176 = arith.constant 4 : i32
          %mul3A_177 = arith.muli %add3A_113, %mul3A_176 : i32
          %add3A_178 = arith.constant 2 : i32
          %add3A_179 = arith.addi %mul3A_177, %add3A_178 : i32
          %get3A_180 = arith.index_cast %add3A_179 : i32 to index
          %get3A_181 = arith.constant 0 : index
          %get3A_182 = tpu.vector_load %arg13[%get3A_180, %get3A_181] {strides = array<i32>} : memref<128x32xf32, #tpu.memory_space<vmem>>, vector<1x16xf32>,
          %get3A_183 = vector.shape_cast %get3A_182 : vector<1x16xf32> to vector<16xf32>
          %get3A_184 = arith.index_cast %add3A_113 : i32 to index
          %get3A_185 = arith.constant 64 : index
          %get3A_186 = tpu.vector_load %arg15[%get3A_184, %get3A_185] {strides = array<i32>} : memref<32x128xf32, #tpu.memory_space<vmem>>, vector<1x16xf32>,
          %get3A_187 = vector.shape_cast %get3A_186 : vector<1x16xf32> to vector<16xf32>
          %mul3A_188 = arith.mulf %get3A_183, %get3A_187 : vector<16xf32>
          %swap3A_189 = arith.index_cast %add3A_179 : i32 to index
          %swap3A_190 = arith.constant 0 : index
          %swap3A_191 = tpu.vector_load %arg13[%swap3A_189, %swap3A_190] {strides = array<i32>} : memref<128x32xf32, #tpu.memory_space<vmem>>, vector<1x16xf32>,
          %swap3A_192 = vector.shape_cast %swap3A_191 : vector<1x16xf32> to vector<16xf32>
          %swap3A_193 = vector.shape_cast %mul3A_188 : vector<16xf32> to vector<1x16xf32>
          tpu.vector_store %arg13[%swap3A_189, %swap3A_190], %swap3A_193 {strides = array<i32>} : memref<128x32xf32, #tpu.memory_space<vmem>>, vector<1x16xf32>,
          %get3A_194 = arith.index_cast %add3A_179 : i32 to index
          %get3A_195 = arith.constant 16 : index
          %get3A_196 = tpu.vector_load %arg13[%get3A_194, %get3A_195] {strides = array<i32>} : memref<128x32xf32, #tpu.memory_space<vmem>>, vector<1x16xf32>,
          %get3A_197 = vector.shape_cast %get3A_196 : vector<1x16xf32> to vector<16xf32>
          %get3A_198 = arith.index_cast %add3A_113 : i32 to index
          %get3A_199 = arith.constant 80 : index
          %get3A_200 = tpu.vector_load %arg15[%get3A_198, %get3A_199] {strides = array<i32>} : memref<32x128xf32, #tpu.memory_space<vmem>>, vector<1x16xf32>,
          %get3A_201 = vector.shape_cast %get3A_200 : vector<1x16xf32> to vector<16xf32>
          %mul3A_202 = arith.mulf %get3A_197, %get3A_201 : vector<16xf32>
          %swap3A_203 = arith.index_cast %add3A_179 : i32 to index
          %swap3A_204 = arith.constant 16 : index
          %swap3A_205 = tpu.vector_load %arg13[%swap3A_203, %swap3A_204] {strides = array<i32>} : memref<128x32xf32, #tpu.memory_space<vmem>>, vector<1x16xf32>,
          %swap3A_206 = vector.shape_cast %swap3A_205 : vector<1x16xf32> to vector<16xf32>
          %swap3A_207 = vector.shape_cast %mul3A_202 : vector<16xf32> to vector<1x16xf32>
          tpu.vector_store %arg13[%swap3A_203, %swap3A_204], %swap3A_207 {strides = array<i32>} : memref<128x32xf32, #tpu.memory_space<vmem>>, vector<1x16xf32>,
          %mul3A_208 = arith.constant 4 : i32
          %mul3A_209 = arith.muli %add3A_113, %mul3A_208 : i32
          %add3A_210 = arith.constant 3 : i32
          %add3A_211 = arith.addi %mul3A_209, %add3A_210 : i32
          %get3A_212 = arith.index_cast %add3A_211 : i32 to index
          %get3A_213 = arith.constant 0 : index
          %get3A_214 = tpu.vector_load %arg13[%get3A_212, %get3A_213] {strides = array<i32>} : memref<128x32xf32, #tpu.memory_space<vmem>>, vector<1x16xf32>,
          %get3A_215 = vector.shape_cast %get3A_214 : vector<1x16xf32> to vector<16xf32>
          %get3A_216 = arith.index_cast %add3A_113 : i32 to index
          %get3A_217 = arith.constant 96 : index
          %get3A_218 = tpu.vector_load %arg15[%get3A_216, %get3A_217] {strides = array<i32>} : memref<32x128xf32, #tpu.memory_space<vmem>>, vector<1x16xf32>,
          %get3A_219 = vector.shape_cast %get3A_218 : vector<1x16xf32> to vector<16xf32>
          %mul3A_220 = arith.mulf %get3A_215, %get3A_219 : vector<16xf32>
          %swap3A_221 = arith.index_cast %add3A_211 : i32 to index
          %swap3A_222 = arith.constant 0 : index
          %swap3A_223 = tpu.vector_load %arg13[%swap3A_221, %swap3A_222] {strides = array<i32>} : memref<128x32xf32, #tpu.memory_space<vmem>>, vector<1x16xf32>,
          %swap3A_224 = vector.shape_cast %swap3A_223 : vector<1x16xf32> to vector<16xf32>
          %swap3A_225 = vector.shape_cast %mul3A_220 : vector<16xf32> to vector<1x16xf32>
          tpu.vector_store %arg13[%swap3A_221, %swap3A_222], %swap3A_225 {strides = array<i32>} : memref<128x32xf32, #tpu.memory_space<vmem>>, vector<1x16xf32>,
          %get3A_226 = arith.index_cast %add3A_211 : i32 to index
          %get3A_227 = arith.constant 16 : index
          %get3A_228 = tpu.vector_load %arg13[%get3A_226, %get3A_227] {strides = array<i32>} : memref<128x32xf32, #tpu.memory_space<vmem>>, vector<1x16xf32>,
          %get3A_229 = vector.shape_cast %get3A_228 : vector<1x16xf32> to vector<16xf32>
          %get3A_230 = arith.index_cast %add3A_113 : i32 to index
          %get3A_231 = arith.constant 112 : index
          %get3A_232 = tpu.vector_load %arg15[%get3A_230, %get3A_231] {strides = array<i32>} : memref<32x128xf32, #tpu.memory_space<vmem>>, vector<1x16xf32>,
          %get3A_233 = vector.shape_cast %get3A_232 : vector<1x16xf32> to vector<16xf32>
          %mul3A_234 = arith.mulf %get3A_229, %get3A_233 : vector<16xf32>
          %swap3A_235 = arith.index_cast %add3A_211 : i32 to index
          %swap3A_236 = arith.constant 16 : index
          %swap3A_237 = tpu.vector_load %arg13[%swap3A_235, %swap3A_236] {strides = array<i32>} : memref<128x32xf32, #tpu.memory_space<vmem>>, vector<1x16xf32>,
          %swap3A_238 = vector.shape_cast %swap3A_237 : vector<1x16xf32> to vector<16xf32>
          %swap3A_239 = vector.shape_cast %mul3A_234 : vector<16xf32> to vector<1x16xf32>
          tpu.vector_store %arg13[%swap3A_235, %swap3A_236], %swap3A_239 {strides = array<i32>} : memref<128x32xf32, #tpu.memory_space<vmem>>, vector<1x16xf32>,
          %scan3A_240 = arith.constant 1 : i32
          %scan3A_241 = arith.addi %scan3A_109, %scan3A_240 : i32
          %mul3A_242 = arith.constant 1 : i32
          %mul3A_243 = arith.muli %scan3A_241, %mul3A_242 : i32
          %add3A_244 = arith.constant 0 : i32
          %add3A_245 = arith.addi %add3A_244, %mul3A_243 : i32
          %mul3A_246 = arith.constant 4 : i32
          %mul3A_247 = arith.muli %add3A_245, %mul3A_246 : i32
          %add3A_248 = arith.constant 0 : i32
          %add3A_249 = arith.addi %mul3A_247, %add3A_248 : i32
          %get3A_250 = arith.index_cast %add3A_249 : i32 to index
          %get3A_251 = arith.constant 0 : index
          %get3A_252 = tpu.vector_load %arg13[%get3A_250, %get3A_251] {strides = array<i32>} : memref<128x32xf32, #tpu.memory_space<vmem>>, vector<1x16xf32>,
          %get3A_253 = vector.shape_cast %get3A_252 : vector<1x16xf32> to vector<16xf32>
          %get3A_254 = arith.index_cast %add3A_245 : i32 to index
          %get3A_255 = arith.constant 0 : index
          %get3A_256 = tpu.vector_load %arg15[%get3A_254, %get3A_255] {strides = array<i32>} : memref<32x128xf32, #tpu.memory_space<vmem>>, vector<1x16xf32>,
          %get3A_257 = vector.shape_cast %get3A_256 : vector<1x16xf32> to vector<16xf32>
          %mul3A_258 = arith.mulf %get3A_253, %get3A_257 : vector<16xf32>
          %swap3A_259 = arith.index_cast %add3A_249 : i32 to index
          %swap3A_260 = arith.constant 0 : index
          %swap3A_261 = tpu.vector_load %arg13[%swap3A_259, %swap3A_260] {strides = array<i32>} : memref<128x32xf32, #tpu.memory_space<vmem>>, vector<1x16xf32>,
          %swap3A_262 = vector.shape_cast %swap3A_261 : vector<1x16xf32> to vector<16xf32>
          %swap3A_263 = vector.shape_cast %mul3A_258 : vector<16xf32> to vector<1x16xf32>
          tpu.vector_store %arg13[%swap3A_259, %swap3A_260], %swap3A_263 {strides = array<i32>} : memref<128x32xf32, #tpu.memory_space<vmem>>, vector<1x16xf32>,
          %get3A_264 = arith.index_cast %add3A_249 : i32 to index
          %get3A_265 = arith.constant 16 : index
          %get3A_266 = tpu.vector_load %arg13[%get3A_264, %get3A_265] {strides = array<i32>} : memref<128x32xf32, #tpu.memory_space<vmem>>, vector<1x16xf32>,
          %get3A_267 = vector.shape_cast %get3A_266 : vector<1x16xf32> to vector<16xf32>
          %get3A_268 = arith.index_cast %add3A_245 : i32 to index
          %get3A_269 = arith.constant 16 : index
          %get3A_270 = tpu.vector_load %arg15[%get3A_268, %get3A_269] {strides = array<i32>} : memref<32x128xf32, #tpu.memory_space<vmem>>, vector<1x16xf32>,
          %get3A_271 = vector.shape_cast %get3A_270 : vector<1x16xf32> to vector<16xf32>
          %mul3A_272 = arith.mulf %get3A_267, %get3A_271 : vector<16xf32>
          %swap3A_273 = arith.index_cast %add3A_249 : i32 to index
          %swap3A_274 = arith.constant 16 : index
          %swap3A_275 = tpu.vector_load %arg13[%swap3A_273, %swap3A_274] {strides = array<i32>} : memref<128x32xf32, #tpu.memory_space<vmem>>, vector<1x16xf32>,
          %swap3A_276 = vector.shape_cast %swap3A_275 : vector<1x16xf32> to vector<16xf32>
          %swap3A_277 = vector.shape_cast %mul3A_272 : vector<16xf32> to vector<1x16xf32>
          tpu.vector_store %arg13[%swap3A_273, %swap3A_274], %swap3A_277 {strides = array<i32>} : memref<128x32xf32, #tpu.memory_space<vmem>>, vector<1x16xf32>,
          %mul3A_278 = arith.constant 4 : i32
          %mul3A_279 = arith.muli %add3A_245, %mul3A_278 : i32
          %add3A_280 = arith.constant 1 : i32
          %add3A_281 = arith.addi %mul3A_279, %add3A_280 : i32
          %get3A_282 = arith.index_cast %add3A_281 : i32 to index
          %get3A_283 = arith.constant 0 : index
          %get3A_284 = tpu.vector_load %arg13[%get3A_282, %get3A_283] {strides = array<i32>} : memref<128x32xf32, #tpu.memory_space<vmem>>, vector<1x16xf32>,
          %get3A_285 = vector.shape_cast %get3A_284 : vector<1x16xf32> to vector<16xf32>
          %get3A_286 = arith.index_cast %add3A_245 : i32 to index
          %get3A_287 = arith.constant 32 : index
          %get3A_288 = tpu.vector_load %arg15[%get3A_286, %get3A_287] {strides = array<i32>} : memref<32x128xf32, #tpu.memory_space<vmem>>, vector<1x16xf32>,
          %get3A_289 = vector.shape_cast %get3A_288 : vector<1x16xf32> to vector<16xf32>
          %mul3A_290 = arith.mulf %get3A_285, %get3A_289 : vector<16xf32>
          %swap3A_291 = arith.index_cast %add3A_281 : i32 to index
          %swap3A_292 = arith.constant 0 : index
          %swap3A_293 = tpu.vector_load %arg13[%swap3A_291, %swap3A_292] {strides = array<i32>} : memref<128x32xf32, #tpu.memory_space<vmem>>, vector<1x16xf32>,
          %swap3A_294 = vector.shape_cast %swap3A_293 : vector<1x16xf32> to vector<16xf32>
          %swap3A_295 = vector.shape_cast %mul3A_290 : vector<16xf32> to vector<1x16xf32>
          tpu.vector_store %arg13[%swap3A_291, %swap3A_292], %swap3A_295 {strides = array<i32>} : memref<128x32xf32, #tpu.memory_space<vmem>>, vector<1x16xf32>,
          %get3A_296 = arith.index_cast %add3A_281 : i32 to index
          %get3A_297 = arith.constant 16 : index
          %get3A_298 = tpu.vector_load %arg13[%get3A_296, %get3A_297] {strides = array<i32>} : memref<128x32xf32, #tpu.memory_space<vmem>>, vector<1x16xf32>,
          %get3A_299 = vector.shape_cast %get3A_298 : vector<1x16xf32> to vector<16xf32>
          %get3A_300 = arith.index_cast %add3A_245 : i32 to index
          %get3A_301 = arith.constant 48 : index
          %get3A_302 = tpu.vector_load %arg15[%get3A_300, %get3A_301] {strides = array<i32>} : memref<32x128xf32, #tpu.memory_space<vmem>>, vector<1x16xf32>,
          %get3A_303 = vector.shape_cast %get3A_302 : vector<1x16xf32> to vector<16xf32>
          %mul3A_304 = arith.mulf %get3A_299, %get3A_303 : vector<16xf32>
          %swap3A_305 = arith.index_cast %add3A_281 : i32 to index
          %swap3A_306 = arith.constant 16 : index
          %swap3A_307 = tpu.vector_load %arg13[%swap3A_305, %swap3A_306] {strides = array<i32>} : memref<128x32xf32, #tpu.memory_space<vmem>>, vector<1x16xf32>,
          %swap3A_308 = vector.shape_cast %swap3A_307 : vector<1x16xf32> to vector<16xf32>
          %swap3A_309 = vector.shape_cast %mul3A_304 : vector<16xf32> to vector<1x16xf32>
          tpu.vector_store %arg13[%swap3A_305, %swap3A_306], %swap3A_309 {strides = array<i32>} : memref<128x32xf32, #tpu.memory_space<vmem>>, vector<1x16xf32>,
          %mul3A_310 = arith.constant 4 : i32
          %mul3A_311 = arith.muli %add3A_245, %mul3A_310 : i32
          %add3A_312 = arith.constant 2 : i32
          %add3A_313 = arith.addi %mul3A_311, %add3A_312 : i32
          %get3A_314 = arith.index_cast %add3A_313 : i32 to index
          %get3A_315 = arith.constant 0 : index
          %get3A_316 = tpu.vector_load %arg13[%get3A_314, %get3A_315] {strides = array<i32>} : memref<128x32xf32, #tpu.memory_space<vmem>>, vector<1x16xf32>,
          %get3A_317 = vector.shape_cast %get3A_316 : vector<1x16xf32> to vector<16xf32>
          %get3A_318 = arith.index_cast %add3A_245 : i32 to index
          %get3A_319 = arith.constant 64 : index
          %get3A_320 = tpu.vector_load %arg15[%get3A_318, %get3A_319] {strides = array<i32>} : memref<32x128xf32, #tpu.memory_space<vmem>>, vector<1x16xf32>,
          %get3A_321 = vector.shape_cast %get3A_320 : vector<1x16xf32> to vector<16xf32>
          %mul3A_322 = arith.mulf %get3A_317, %get3A_321 : vector<16xf32>
          %swap3A_323 = arith.index_cast %add3A_313 : i32 to index
          %swap3A_324 = arith.constant 0 : index
          %swap3A_325 = tpu.vector_load %arg13[%swap3A_323, %swap3A_324] {strides = array<i32>} : memref<128x32xf32, #tpu.memory_space<vmem>>, vector<1x16xf32>,
          %swap3A_326 = vector.shape_cast %swap3A_325 : vector<1x16xf32> to vector<16xf32>
          %swap3A_327 = vector.shape_cast %mul3A_322 : vector<16xf32> to vector<1x16xf32>
          tpu.vector_store %arg13[%swap3A_323, %swap3A_324], %swap3A_327 {strides = array<i32>} : memref<128x32xf32, #tpu.memory_space<vmem>>, vector<1x16xf32>,
          %get3A_328 = arith.index_cast %add3A_313 : i32 to index
          %get3A_329 = arith.constant 16 : index
          %get3A_330 = tpu.vector_load %arg13[%get3A_328, %get3A_329] {strides = array<i32>} : memref<128x32xf32, #tpu.memory_space<vmem>>, vector<1x16xf32>,
          %get3A_331 = vector.shape_cast %get3A_330 : vector<1x16xf32> to vector<16xf32>
          %get3A_332 = arith.index_cast %add3A_245 : i32 to index
          %get3A_333 = arith.constant 80 : index
          %get3A_334 = tpu.vector_load %arg15[%get3A_332, %get3A_333] {strides = array<i32>} : memref<32x128xf32, #tpu.memory_space<vmem>>, vector<1x16xf32>,
          %get3A_335 = vector.shape_cast %get3A_334 : vector<1x16xf32> to vector<16xf32>
          %mul3A_336 = arith.mulf %get3A_331, %get3A_335 : vector<16xf32>
          %swap3A_337 = arith.index_cast %add3A_313 : i32 to index
          %swap3A_338 = arith.constant 16 : index
          %swap3A_339 = tpu.vector_load %arg13[%swap3A_337, %swap3A_338] {strides = array<i32>} : memref<128x32xf32, #tpu.memory_space<vmem>>, vector<1x16xf32>,
          %swap3A_340 = vector.shape_cast %swap3A_339 : vector<1x16xf32> to vector<16xf32>
          %swap3A_341 = vector.shape_cast %mul3A_336 : vector<16xf32> to vector<1x16xf32>
          tpu.vector_store %arg13[%swap3A_337, %swap3A_338], %swap3A_341 {strides = array<i32>} : memref<128x32xf32, #tpu.memory_space<vmem>>, vector<1x16xf32>,
          %mul3A_342 = arith.constant 4 : i32
          %mul3A_343 = arith.muli %add3A_245, %mul3A_342 : i32
          %add3A_344 = arith.constant 3 : i32
          %add3A_345 = arith.addi %mul3A_343, %add3A_344 : i32
          %get3A_346 = arith.index_cast %add3A_345 : i32 to index
          %get3A_347 = arith.constant 0 : index
          %get3A_348 = tpu.vector_load %arg13[%get3A_346, %get3A_347] {strides = array<i32>} : memref<128x32xf32, #tpu.memory_space<vmem>>, vector<1x16xf32>,
          %get3A_349 = vector.shape_cast %get3A_348 : vector<1x16xf32> to vector<16xf32>
          %get3A_350 = arith.index_cast %add3A_245 : i32 to index
          %get3A_351 = arith.constant 96 : index
          %get3A_352 = tpu.vector_load %arg15[%get3A_350, %get3A_351] {strides = array<i32>} : memref<32x128xf32, #tpu.memory_space<vmem>>, vector<1x16xf32>,
          %get3A_353 = vector.shape_cast %get3A_352 : vector<1x16xf32> to vector<16xf32>
          %mul3A_354 = arith.mulf %get3A_349, %get3A_353 : vector<16xf32>
          %swap3A_355 = arith.index_cast %add3A_345 : i32 to index
          %swap3A_356 = arith.constant 0 : index
          %swap3A_357 = tpu.vector_load %arg13[%swap3A_355, %swap3A_356] {strides = array<i32>} : memref<128x32xf32, #tpu.memory_space<vmem>>, vector<1x16xf32>,
          %swap3A_358 = vector.shape_cast %swap3A_357 : vector<1x16xf32> to vector<16xf32>
          %swap3A_359 = vector.shape_cast %mul3A_354 : vector<16xf32> to vector<1x16xf32>
          tpu.vector_store %arg13[%swap3A_355, %swap3A_356], %swap3A_359 {strides = array<i32>} : memref<128x32xf32, #tpu.memory_space<vmem>>, vector<1x16xf32>,
          %get3A_360 = arith.index_cast %add3A_345 : i32 to index
          %get3A_361 = arith.constant 16 : index
          %get3A_362 = tpu.vector_load %arg13[%get3A_360, %get3A_361] {strides = array<i32>} : memref<128x32xf32, #tpu.memory_space<vmem>>, vector<1x16xf32>,
          %get3A_363 = vector.shape_cast %get3A_362 : vector<1x16xf32> to vector<16xf32>
          %get3A_364 = arith.index_cast %add3A_245 : i32 to index
          %get3A_365 = arith.constant 112 : index
          %get3A_366 = tpu.vector_load %arg15[%get3A_364, %get3A_365] {strides = array<i32>} : memref<32x128xf32, #tpu.memory_space<vmem>>, vector<1x16xf32>,
          %get3A_367 = vector.shape_cast %get3A_366 : vector<1x16xf32> to vector<16xf32>
          %mul3A_368 = arith.mulf %get3A_363, %get3A_367 : vector<16xf32>
          %swap3A_369 = arith.index_cast %add3A_345 : i32 to index
          %swap3A_370 = arith.constant 16 : index
          %swap3A_371 = tpu.vector_load %arg13[%swap3A_369, %swap3A_370] {strides = array<i32>} : memref<128x32xf32, #tpu.memory_space<vmem>>, vector<1x16xf32>,
          %swap3A_372 = vector.shape_cast %swap3A_371 : vector<1x16xf32> to vector<16xf32>
          %swap3A_373 = vector.shape_cast %mul3A_368 : vector<16xf32> to vector<1x16xf32>
          tpu.vector_store %arg13[%swap3A_369, %swap3A_370], %swap3A_373 {strides = array<i32>} : memref<128x32xf32, #tpu.memory_space<vmem>>, vector<1x16xf32>,
          %scan3A_374 = arith.constant 2 : i32
          %scan3A_375 = arith.addi %scan3A_109, %scan3A_374 : i32
          %mul3A_376 = arith.constant 1 : i32
          %mul3A_377 = arith.muli %scan3A_375, %mul3A_376 : i32
          %add3A_378 = arith.constant 0 : i32
          %add3A_379 = arith.addi %add3A_378, %mul3A_377 : i32
          %mul3A_380 = arith.constant 4 : i32
          %mul3A_381 = arith.muli %add3A_379, %mul3A_380 : i32
          %add3A_382 = arith.constant 0 : i32
          %add3A_383 = arith.addi %mul3A_381, %add3A_382 : i32
          %get3A_384 = arith.index_cast %add3A_383 : i32 to index
          %get3A_385 = arith.constant 0 : index
          %get3A_386 = tpu.vector_load %arg13[%get3A_384, %get3A_385] {strides = array<i32>} : memref<128x32xf32, #tpu.memory_space<vmem>>, vector<1x16xf32>,
          %get3A_387 = vector.shape_cast %get3A_386 : vector<1x16xf32> to vector<16xf32>
          %get3A_388 = arith.index_cast %add3A_379 : i32 to index
          %get3A_389 = arith.constant 0 : index
          %get3A_390 = tpu.vector_load %arg15[%get3A_388, %get3A_389] {strides = array<i32>} : memref<32x128xf32, #tpu.memory_space<vmem>>, vector<1x16xf32>,
          %get3A_391 = vector.shape_cast %get3A_390 : vector<1x16xf32> to vector<16xf32>
          %mul3A_392 = arith.mulf %get3A_387, %get3A_391 : vector<16xf32>
          %swap3A_393 = arith.index_cast %add3A_383 : i32 to index
          %swap3A_394 = arith.constant 0 : index
          %swap3A_395 = tpu.vector_load %arg13[%swap3A_393, %swap3A_394] {strides = array<i32>} : memref<128x32xf32, #tpu.memory_space<vmem>>, vector<1x16xf32>,
          %swap3A_396 = vector.shape_cast %swap3A_395 : vector<1x16xf32> to vector<16xf32>
          %swap3A_397 = vector.shape_cast %mul3A_392 : vector<16xf32> to vector<1x16xf32>
          tpu.vector_store %arg13[%swap3A_393, %swap3A_394], %swap3A_397 {strides = array<i32>} : memref<128x32xf32, #tpu.memory_space<vmem>>, vector<1x16xf32>,
          %get3A_398 = arith.index_cast %add3A_383 : i32 to index
          %get3A_399 = arith.constant 16 : index
          %get3A_400 = tpu.vector_load %arg13[%get3A_398, %get3A_399] {strides = array<i32>} : memref<128x32xf32, #tpu.memory_space<vmem>>, vector<1x16xf32>,
          %get3A_401 = vector.shape_cast %get3A_400 : vector<1x16xf32> to vector<16xf32>
          %get3A_402 = arith.index_cast %add3A_379 : i32 to index
          %get3A_403 = arith.constant 16 : index
          %get3A_404 = tpu.vector_load %arg15[%get3A_402, %get3A_403] {strides = array<i32>} : memref<32x128xf32, #tpu.memory_space<vmem>>, vector<1x16xf32>,
          %get3A_405 = vector.shape_cast %get3A_404 : vector<1x16xf32> to vector<16xf32>
          %mul3A_406 = arith.mulf %get3A_401, %get3A_405 : vector<16xf32>
          %swap3A_407 = arith.index_cast %add3A_383 : i32 to index
          %swap3A_408 = arith.constant 16 : index
          %swap3A_409 = tpu.vector_load %arg13[%swap3A_407, %swap3A_408] {strides = array<i32>} : memref<128x32xf32, #tpu.memory_space<vmem>>, vector<1x16xf32>,
          %swap3A_410 = vector.shape_cast %swap3A_409 : vector<1x16xf32> to vector<16xf32>
          %swap3A_411 = vector.shape_cast %mul3A_406 : vector<16xf32> to vector<1x16xf32>
          tpu.vector_store %arg13[%swap3A_407, %swap3A_408], %swap3A_411 {strides = array<i32>} : memref<128x32xf32, #tpu.memory_space<vmem>>, vector<1x16xf32>,
          %mul3A_412 = arith.constant 4 : i32
          %mul3A_413 = arith.muli %add3A_379, %mul3A_412 : i32
          %add3A_414 = arith.constant 1 : i32
          %add3A_415 = arith.addi %mul3A_413, %add3A_414 : i32
          %get3A_416 = arith.index_cast %add3A_415 : i32 to index
          %get3A_417 = arith.constant 0 : index
          %get3A_418 = tpu.vector_load %arg13[%get3A_416, %get3A_417] {strides = array<i32>} : memref<128x32xf32, #tpu.memory_space<vmem>>, vector<1x16xf32>,
          %get3A_419 = vector.shape_cast %get3A_418 : vector<1x16xf32> to vector<16xf32>
          %get3A_420 = arith.index_cast %add3A_379 : i32 to index
          %get3A_421 = arith.constant 32 : index
          %get3A_422 = tpu.vector_load %arg15[%get3A_420, %get3A_421] {strides = array<i32>} : memref<32x128xf32, #tpu.memory_space<vmem>>, vector<1x16xf32>,
          %get3A_423 = vector.shape_cast %get3A_422 : vector<1x16xf32> to vector<16xf32>
          %mul3A_424 = arith.mulf %get3A_419, %get3A_423 : vector<16xf32>
          %swap3A_425 = arith.index_cast %add3A_415 : i32 to index
          %swap3A_426 = arith.constant 0 : index
          %swap3A_427 = tpu.vector_load %arg13[%swap3A_425, %swap3A_426] {strides = array<i32>} : memref<128x32xf32, #tpu.memory_space<vmem>>, vector<1x16xf32>,
          %swap3A_428 = vector.shape_cast %swap3A_427 : vector<1x16xf32> to vector<16xf32>
          %swap3A_429 = vector.shape_cast %mul3A_424 : vector<16xf32> to vector<1x16xf32>
          tpu.vector_store %arg13[%swap3A_425, %swap3A_426], %swap3A_429 {strides = array<i32>} : memref<128x32xf32, #tpu.memory_space<vmem>>, vector<1x16xf32>,
          %get3A_430 = arith.index_cast %add3A_415 : i32 to index
          %get3A_431 = arith.constant 16 : index
          %get3A_432 = tpu.vector_load %arg13[%get3A_430, %get3A_431] {strides = array<i32>} : memref<128x32xf32, #tpu.memory_space<vmem>>, vector<1x16xf32>,
          %get3A_433 = vector.shape_cast %get3A_432 : vector<1x16xf32> to vector<16xf32>
          %get3A_434 = arith.index_cast %add3A_379 : i32 to index
          %get3A_435 = arith.constant 48 : index
          %get3A_436 = tpu.vector_load %arg15[%get3A_434, %get3A_435] {strides = array<i32>} : memref<32x128xf32, #tpu.memory_space<vmem>>, vector<1x16xf32>,
          %get3A_437 = vector.shape_cast %get3A_436 : vector<1x16xf32> to vector<16xf32>
          %mul3A_438 = arith.mulf %get3A_433, %get3A_437 : vector<16xf32>
          %swap3A_439 = arith.index_cast %add3A_415 : i32 to index
          %swap3A_440 = arith.constant 16 : index
          %swap3A_441 = tpu.vector_load %arg13[%swap3A_439, %swap3A_440] {strides = array<i32>} : memref<128x32xf32, #tpu.memory_space<vmem>>, vector<1x16xf32>,
          %swap3A_442 = vector.shape_cast %swap3A_441 : vector<1x16xf32> to vector<16xf32>
          %swap3A_443 = vector.shape_cast %mul3A_438 : vector<16xf32> to vector<1x16xf32>
          tpu.vector_store %arg13[%swap3A_439, %swap3A_440], %swap3A_443 {strides = array<i32>} : memref<128x32xf32, #tpu.memory_space<vmem>>, vector<1x16xf32>,
          %mul3A_444 = arith.constant 4 : i32
          %mul3A_445 = arith.muli %add3A_379, %mul3A_444 : i32
          %add3A_446 = arith.constant 2 : i32
          %add3A_447 = arith.addi %mul3A_445, %add3A_446 : i32
          %get3A_448 = arith.index_cast %add3A_447 : i32 to index
          %get3A_449 = arith.constant 0 : index
          %get3A_450 = tpu.vector_load %arg13[%get3A_448, %get3A_449] {strides = array<i32>} : memref<128x32xf32, #tpu.memory_space<vmem>>, vector<1x16xf32>,
          %get3A_451 = vector.shape_cast %get3A_450 : vector<1x16xf32> to vector<16xf32>
          %get3A_452 = arith.index_cast %add3A_379 : i32 to index
          %get3A_453 = arith.constant 64 : index
          %get3A_454 = tpu.vector_load %arg15[%get3A_452, %get3A_453] {strides = array<i32>} : memref<32x128xf32, #tpu.memory_space<vmem>>, vector<1x16xf32>,
          %get3A_455 = vector.shape_cast %get3A_454 : vector<1x16xf32> to vector<16xf32>
          %mul3A_456 = arith.mulf %get3A_451, %get3A_455 : vector<16xf32>
          %swap3A_457 = arith.index_cast %add3A_447 : i32 to index
          %swap3A_458 = arith.constant 0 : index
          %swap3A_459 = tpu.vector_load %arg13[%swap3A_457, %swap3A_458] {strides = array<i32>} : memref<128x32xf32, #tpu.memory_space<vmem>>, vector<1x16xf32>,
          %swap3A_460 = vector.shape_cast %swap3A_459 : vector<1x16xf32> to vector<16xf32>
          %swap3A_461 = vector.shape_cast %mul3A_456 : vector<16xf32> to vector<1x16xf32>
          tpu.vector_store %arg13[%swap3A_457, %swap3A_458], %swap3A_461 {strides = array<i32>} : memref<128x32xf32, #tpu.memory_space<vmem>>, vector<1x16xf32>,
          %get3A_462 = arith.index_cast %add3A_447 : i32 to index
          %get3A_463 = arith.constant 16 : index
          %get3A_464 = tpu.vector_load %arg13[%get3A_462, %get3A_463] {strides = array<i32>} : memref<128x32xf32, #tpu.memory_space<vmem>>, vector<1x16xf32>,
          %get3A_465 = vector.shape_cast %get3A_464 : vector<1x16xf32> to vector<16xf32>
          %get3A_466 = arith.index_cast %add3A_379 : i32 to index
          %get3A_467 = arith.constant 80 : index
          %get3A_468 = tpu.vector_load %arg15[%get3A_466, %get3A_467] {strides = array<i32>} : memref<32x128xf32, #tpu.memory_space<vmem>>, vector<1x16xf32>,
          %get3A_469 = vector.shape_cast %get3A_468 : vector<1x16xf32> to vector<16xf32>
          %mul3A_470 = arith.mulf %get3A_465, %get3A_469 : vector<16xf32>
          %swap3A_471 = arith.index_cast %add3A_447 : i32 to index
          %swap3A_472 = arith.constant 16 : index
          %swap3A_473 = tpu.vector_load %arg13[%swap3A_471, %swap3A_472] {strides = array<i32>} : memref<128x32xf32, #tpu.memory_space<vmem>>, vector<1x16xf32>,
          %swap3A_474 = vector.shape_cast %swap3A_473 : vector<1x16xf32> to vector<16xf32>
          %swap3A_475 = vector.shape_cast %mul3A_470 : vector<16xf32> to vector<1x16xf32>
          tpu.vector_store %arg13[%swap3A_471, %swap3A_472], %swap3A_475 {strides = array<i32>} : memref<128x32xf32, #tpu.memory_space<vmem>>, vector<1x16xf32>,
          %mul3A_476 = arith.constant 4 : i32
          %mul3A_477 = arith.muli %add3A_379, %mul3A_476 : i32
          %add3A_478 = arith.constant 3 : i32
          %add3A_479 = arith.addi %mul3A_477, %add3A_478 : i32
          %get3A_480 = arith.index_cast %add3A_479 : i32 to index
          %get3A_481 = arith.constant 0 : index
          %get3A_482 = tpu.vector_load %arg13[%get3A_480, %get3A_481] {strides = array<i32>} : memref<128x32xf32, #tpu.memory_space<vmem>>, vector<1x16xf32>,
          %get3A_483 = vector.shape_cast %get3A_482 : vector<1x16xf32> to vector<16xf32>
          %get3A_484 = arith.index_cast %add3A_379 : i32 to index
          %get3A_485 = arith.constant 96 : index
          %get3A_486 = tpu.vector_load %arg15[%get3A_484, %get3A_485] {strides = array<i32>} : memref<32x128xf32, #tpu.memory_space<vmem>>, vector<1x16xf32>,
          %get3A_487 = vector.shape_cast %get3A_486 : vector<1x16xf32> to vector<16xf32>
          %mul3A_488 = arith.mulf %get3A_483, %get3A_487 : vector<16xf32>
          %swap3A_489 = arith.index_cast %add3A_479 : i32 to index
          %swap3A_490 = arith.constant 0 : index
          %swap3A_491 = tpu.vector_load %arg13[%swap3A_489, %swap3A_490] {strides = array<i32>} : memref<128x32xf32, #tpu.memory_space<vmem>>, vector<1x16xf32>,
          %swap3A_492 = vector.shape_cast %swap3A_491 : vector<1x16xf32> to vector<16xf32>
          %swap3A_493 = vector.shape_cast %mul3A_488 : vector<16xf32> to vector<1x16xf32>
          tpu.vector_store %arg13[%swap3A_489, %swap3A_490], %swap3A_493 {strides = array<i32>} : memref<128x32xf32, #tpu.memory_space<vmem>>, vector<1x16xf32>,
          %get3A_494 = arith.index_cast %add3A_479 : i32 to index
          %get3A_495 = arith.constant 16 : index
          %get3A_496 = tpu.vector_load %arg13[%get3A_494, %get3A_495] {strides = array<i32>} : memref<128x32xf32, #tpu.memory_space<vmem>>, vector<1x16xf32>,
          %get3A_497 = vector.shape_cast %get3A_496 : vector<1x16xf32> to vector<16xf32>
          %get3A_498 = arith.index_cast %add3A_379 : i32 to index
          %get3A_499 = arith.constant 112 : index
          %get3A_500 = tpu.vector_load %arg15[%get3A_498, %get3A_499] {strides = array<i32>} : memref<32x128xf32, #tpu.memory_space<vmem>>, vector<1x16xf32>,
          %get3A_501 = vector.shape_cast %get3A_500 : vector<1x16xf32> to vector<16xf32>
          %mul3A_502 = arith.mulf %get3A_497, %get3A_501 : vector<16xf32>
          %swap3A_503 = arith.index_cast %add3A_479 : i32 to index
          %swap3A_504 = arith.constant 16 : index
          %swap3A_505 = tpu.vector_load %arg13[%swap3A_503, %swap3A_504] {strides = array<i32>} : memref<128x32xf32, #tpu.memory_space<vmem>>, vector<1x16xf32>,
          %swap3A_506 = vector.shape_cast %swap3A_505 : vector<1x16xf32> to vector<16xf32>
          %swap3A_507 = vector.shape_cast %mul3A_502 : vector<16xf32> to vector<1x16xf32>
          tpu.vector_store %arg13[%swap3A_503, %swap3A_504], %swap3A_507 {strides = array<i32>} : memref<128x32xf32, #tpu.memory_space<vmem>>, vector<1x16xf32>,
          %scan3A_508 = arith.constant 3 : i32
          %scan3A_509 = arith.addi %scan3A_109, %scan3A_508 : i32
          %mul3A_510 = arith.constant 1 : i32
          %mul3A_511 = arith.muli %scan3A_509, %mul3A_510 : i32
          %add3A_512 = arith.constant 0 : i32
          %add3A_513 = arith.addi %add3A_512, %mul3A_511 : i32
          %mul3A_514 = arith.constant 4 : i32
          %mul3A_515 = arith.muli %add3A_513, %mul3A_514 : i32
          %add3A_516 = arith.constant 0 : i32
          %add3A_517 = arith.addi %mul3A_515, %add3A_516 : i32
          %get3A_518 = arith.index_cast %add3A_517 : i32 to index
          %get3A_519 = arith.constant 0 : index
          %get3A_520 = tpu.vector_load %arg13[%get3A_518, %get3A_519] {strides = array<i32>} : memref<128x32xf32, #tpu.memory_space<vmem>>, vector<1x16xf32>,
          %get3A_521 = vector.shape_cast %get3A_520 : vector<1x16xf32> to vector<16xf32>
          %get3A_522 = arith.index_cast %add3A_513 : i32 to index
          %get3A_523 = arith.constant 0 : index
          %get3A_524 = tpu.vector_load %arg15[%get3A_522, %get3A_523] {strides = array<i32>} : memref<32x128xf32, #tpu.memory_space<vmem>>, vector<1x16xf32>,
          %get3A_525 = vector.shape_cast %get3A_524 : vector<1x16xf32> to vector<16xf32>
          %mul3A_526 = arith.mulf %get3A_521, %get3A_525 : vector<16xf32>
          %swap3A_527 = arith.index_cast %add3A_517 : i32 to index
          %swap3A_528 = arith.constant 0 : index
          %swap3A_529 = tpu.vector_load %arg13[%swap3A_527, %swap3A_528] {strides = array<i32>} : memref<128x32xf32, #tpu.memory_space<vmem>>, vector<1x16xf32>,
          %swap3A_530 = vector.shape_cast %swap3A_529 : vector<1x16xf32> to vector<16xf32>
          %swap3A_531 = vector.shape_cast %mul3A_526 : vector<16xf32> to vector<1x16xf32>
          tpu.vector_store %arg13[%swap3A_527, %swap3A_528], %swap3A_531 {strides = array<i32>} : memref<128x32xf32, #tpu.memory_space<vmem>>, vector<1x16xf32>,
          %get3A_532 = arith.index_cast %add3A_517 : i32 to index
          %get3A_533 = arith.constant 16 : index
          %get3A_534 = tpu.vector_load %arg13[%get3A_532, %get3A_533] {strides = array<i32>} : memref<128x32xf32, #tpu.memory_space<vmem>>, vector<1x16xf32>,
          %get3A_535 = vector.shape_cast %get3A_534 : vector<1x16xf32> to vector<16xf32>
          %get3A_536 = arith.index_cast %add3A_513 : i32 to index
          %get3A_537 = arith.constant 16 : index
          %get3A_538 = tpu.vector_load %arg15[%get3A_536, %get3A_537] {strides = array<i32>} : memref<32x128xf32, #tpu.memory_space<vmem>>, vector<1x16xf32>,
          %get3A_539 = vector.shape_cast %get3A_538 : vector<1x16xf32> to vector<16xf32>
          %mul3A_540 = arith.mulf %get3A_535, %get3A_539 : vector<16xf32>
          %swap3A_541 = arith.index_cast %add3A_517 : i32 to index
          %swap3A_542 = arith.constant 16 : index
          %swap3A_543 = tpu.vector_load %arg13[%swap3A_541, %swap3A_542] {strides = array<i32>} : memref<128x32xf32, #tpu.memory_space<vmem>>, vector<1x16xf32>,
          %swap3A_544 = vector.shape_cast %swap3A_543 : vector<1x16xf32> to vector<16xf32>
          %swap3A_545 = vector.shape_cast %mul3A_540 : vector<16xf32> to vector<1x16xf32>
          tpu.vector_store %arg13[%swap3A_541, %swap3A_542], %swap3A_545 {strides = array<i32>} : memref<128x32xf32, #tpu.memory_space<vmem>>, vector<1x16xf32>,
          %mul3A_546 = arith.constant 4 : i32
          %mul3A_547 = arith.muli %add3A_513, %mul3A_546 : i32
          %add3A_548 = arith.constant 1 : i32
          %add3A_549 = arith.addi %mul3A_547, %add3A_548 : i32
          %get3A_550 = arith.index_cast %add3A_549 : i32 to index
          %get3A_551 = arith.constant 0 : index
          %get3A_552 = tpu.vector_load %arg13[%get3A_550, %get3A_551] {strides = array<i32>} : memref<128x32xf32, #tpu.memory_space<vmem>>, vector<1x16xf32>,
          %get3A_553 = vector.shape_cast %get3A_552 : vector<1x16xf32> to vector<16xf32>
          %get3A_554 = arith.index_cast %add3A_513 : i32 to index
          %get3A_555 = arith.constant 32 : index
          %get3A_556 = tpu.vector_load %arg15[%get3A_554, %get3A_555] {strides = array<i32>} : memref<32x128xf32, #tpu.memory_space<vmem>>, vector<1x16xf32>,
          %get3A_557 = vector.shape_cast %get3A_556 : vector<1x16xf32> to vector<16xf32>
          %mul3A_558 = arith.mulf %get3A_553, %get3A_557 : vector<16xf32>
          %swap3A_559 = arith.index_cast %add3A_549 : i32 to index
          %swap3A_560 = arith.constant 0 : index
          %swap3A_561 = tpu.vector_load %arg13[%swap3A_559, %swap3A_560] {strides = array<i32>} : memref<128x32xf32, #tpu.memory_space<vmem>>, vector<1x16xf32>,
          %swap3A_562 = vector.shape_cast %swap3A_561 : vector<1x16xf32> to vector<16xf32>
          %swap3A_563 = vector.shape_cast %mul3A_558 : vector<16xf32> to vector<1x16xf32>
          tpu.vector_store %arg13[%swap3A_559, %swap3A_560], %swap3A_563 {strides = array<i32>} : memref<128x32xf32, #tpu.memory_space<vmem>>, vector<1x16xf32>,
          %get3A_564 = arith.index_cast %add3A_549 : i32 to index
          %get3A_565 = arith.constant 16 : index
          %get3A_566 = tpu.vector_load %arg13[%get3A_564, %get3A_565] {strides = array<i32>} : memref<128x32xf32, #tpu.memory_space<vmem>>, vector<1x16xf32>,
          %get3A_567 = vector.shape_cast %get3A_566 : vector<1x16xf32> to vector<16xf32>
          %get3A_568 = arith.index_cast %add3A_513 : i32 to index
          %get3A_569 = arith.constant 48 : index
          %get3A_570 = tpu.vector_load %arg15[%get3A_568, %get3A_569] {strides = array<i32>} : memref<32x128xf32, #tpu.memory_space<vmem>>, vector<1x16xf32>,
          %get3A_571 = vector.shape_cast %get3A_570 : vector<1x16xf32> to vector<16xf32>
          %mul3A_572 = arith.mulf %get3A_567, %get3A_571 : vector<16xf32>
          %swap3A_573 = arith.index_cast %add3A_549 : i32 to index
          %swap3A_574 = arith.constant 16 : index
          %swap3A_575 = tpu.vector_load %arg13[%swap3A_573, %swap3A_574] {strides = array<i32>} : memref<128x32xf32, #tpu.memory_space<vmem>>, vector<1x16xf32>,
          %swap3A_576 = vector.shape_cast %swap3A_575 : vector<1x16xf32> to vector<16xf32>
          %swap3A_577 = vector.shape_cast %mul3A_572 : vector<16xf32> to vector<1x16xf32>
          tpu.vector_store %arg13[%swap3A_573, %swap3A_574], %swap3A_577 {strides = array<i32>} : memref<128x32xf32, #tpu.memory_space<vmem>>, vector<1x16xf32>,
          %mul3A_578 = arith.constant 4 : i32
          %mul3A_579 = arith.muli %add3A_513, %mul3A_578 : i32
          %add3A_580 = arith.constant 2 : i32
          %add3A_581 = arith.addi %mul3A_579, %add3A_580 : i32
          %get3A_582 = arith.index_cast %add3A_581 : i32 to index
          %get3A_583 = arith.constant 0 : index
          %get3A_584 = tpu.vector_load %arg13[%get3A_582, %get3A_583] {strides = array<i32>} : memref<128x32xf32, #tpu.memory_space<vmem>>, vector<1x16xf32>,
          %get3A_585 = vector.shape_cast %get3A_584 : vector<1x16xf32> to vector<16xf32>
          %get3A_586 = arith.index_cast %add3A_513 : i32 to index
          %get3A_587 = arith.constant 64 : index
          %get3A_588 = tpu.vector_load %arg15[%get3A_586, %get3A_587] {strides = array<i32>} : memref<32x128xf32, #tpu.memory_space<vmem>>, vector<1x16xf32>,
          %get3A_589 = vector.shape_cast %get3A_588 : vector<1x16xf32> to vector<16xf32>
          %mul3A_590 = arith.mulf %get3A_585, %get3A_589 : vector<16xf32>
          %swap3A_591 = arith.index_cast %add3A_581 : i32 to index
          %swap3A_592 = arith.constant 0 : index
          %swap3A_593 = tpu.vector_load %arg13[%swap3A_591, %swap3A_592] {strides = array<i32>} : memref<128x32xf32, #tpu.memory_space<vmem>>, vector<1x16xf32>,
          %swap3A_594 = vector.shape_cast %swap3A_593 : vector<1x16xf32> to vector<16xf32>
          %swap3A_595 = vector.shape_cast %mul3A_590 : vector<16xf32> to vector<1x16xf32>
          tpu.vector_store %arg13[%swap3A_591, %swap3A_592], %swap3A_595 {strides = array<i32>} : memref<128x32xf32, #tpu.memory_space<vmem>>, vector<1x16xf32>,
          %get3A_596 = arith.index_cast %add3A_581 : i32 to index
          %get3A_597 = arith.constant 16 : index
          %get3A_598 = tpu.vector_load %arg13[%get3A_596, %get3A_597] {strides = array<i32>} : memref<128x32xf32, #tpu.memory_space<vmem>>, vector<1x16xf32>,
          %get3A_599 = vector.shape_cast %get3A_598 : vector<1x16xf32> to vector<16xf32>
          %get3A_600 = arith.index_cast %add3A_513 : i32 to index
          %get3A_601 = arith.constant 80 : index
          %get3A_602 = tpu.vector_load %arg15[%get3A_600, %get3A_601] {strides = array<i32>} : memref<32x128xf32, #tpu.memory_space<vmem>>, vector<1x16xf32>,
          %get3A_603 = vector.shape_cast %get3A_602 : vector<1x16xf32> to vector<16xf32>
          %mul3A_604 = arith.mulf %get3A_599, %get3A_603 : vector<16xf32>
          %swap3A_605 = arith.index_cast %add3A_581 : i32 to index
          %swap3A_606 = arith.constant 16 : index
          %swap3A_607 = tpu.vector_load %arg13[%swap3A_605, %swap3A_606] {strides = array<i32>} : memref<128x32xf32, #tpu.memory_space<vmem>>, vector<1x16xf32>,
          %swap3A_608 = vector.shape_cast %swap3A_607 : vector<1x16xf32> to vector<16xf32>
          %swap3A_609 = vector.shape_cast %mul3A_604 : vector<16xf32> to vector<1x16xf32>
          tpu.vector_store %arg13[%swap3A_605, %swap3A_606], %swap3A_609 {strides = array<i32>} : memref<128x32xf32, #tpu.memory_space<vmem>>, vector<1x16xf32>,
          %mul3A_610 = arith.constant 4 : i32
          %mul3A_611 = arith.muli %add3A_513, %mul3A_610 : i32
          %add3A_612 = arith.constant 3 : i32
          %add3A_613 = arith.addi %mul3A_611, %add3A_612 : i32
          %get3A_614 = arith.index_cast %add3A_613 : i32 to index
          %get3A_615 = arith.constant 0 : index
          %get3A_616 = tpu.vector_load %arg13[%get3A_614, %get3A_615] {strides = array<i32>} : memref<128x32xf32, #tpu.memory_space<vmem>>, vector<1x16xf32>,
          %get3A_617 = vector.shape_cast %get3A_616 : vector<1x16xf32> to vector<16xf32>
          %get3A_618 = arith.index_cast %add3A_513 : i32 to index
          %get3A_619 = arith.constant 96 : index
          %get3A_620 = tpu.vector_load %arg15[%get3A_618, %get3A_619] {strides = array<i32>} : memref<32x128xf32, #tpu.memory_space<vmem>>, vector<1x16xf32>,
          %get3A_621 = vector.shape_cast %get3A_620 : vector<1x16xf32> to vector<16xf32>
          %mul3A_622 = arith.mulf %get3A_617, %get3A_621 : vector<16xf32>
          %swap3A_623 = arith.index_cast %add3A_613 : i32 to index
          %swap3A_624 = arith.constant 0 : index
          %swap3A_625 = tpu.vector_load %arg13[%swap3A_623, %swap3A_624] {strides = array<i32>} : memref<128x32xf32, #tpu.memory_space<vmem>>, vector<1x16xf32>,
          %swap3A_626 = vector.shape_cast %swap3A_625 : vector<1x16xf32> to vector<16xf32>
          %swap3A_627 = vector.shape_cast %mul3A_622 : vector<16xf32> to vector<1x16xf32>
          tpu.vector_store %arg13[%swap3A_623, %swap3A_624], %swap3A_627 {strides = array<i32>} : memref<128x32xf32, #tpu.memory_space<vmem>>, vector<1x16xf32>,
          %get3A_628 = arith.index_cast %add3A_613 : i32 to index
          %get3A_629 = arith.constant 16 : index
          %get3A_630 = tpu.vector_load %arg13[%get3A_628, %get3A_629] {strides = array<i32>} : memref<128x32xf32, #tpu.memory_space<vmem>>, vector<1x16xf32>,
          %get3A_631 = vector.shape_cast %get3A_630 : vector<1x16xf32> to vector<16xf32>
          %get3A_632 = arith.index_cast %add3A_513 : i32 to index
          %get3A_633 = arith.constant 112 : index
          %get3A_634 = tpu.vector_load %arg15[%get3A_632, %get3A_633] {strides = array<i32>} : memref<32x128xf32, #tpu.memory_space<vmem>>, vector<1x16xf32>,
          %get3A_635 = vector.shape_cast %get3A_634 : vector<1x16xf32> to vector<16xf32>
          %mul3A_636 = arith.mulf %get3A_631, %get3A_635 : vector<16xf32>
          %swap3A_637 = arith.index_cast %add3A_613 : i32 to index
          %swap3A_638 = arith.constant 16 : index
          %swap3A_639 = tpu.vector_load %arg13[%swap3A_637, %swap3A_638] {strides = array<i32>} : memref<128x32xf32, #tpu.memory_space<vmem>>, vector<1x16xf32>,
          %swap3A_640 = vector.shape_cast %swap3A_639 : vector<1x16xf32> to vector<16xf32>
          %swap3A_641 = vector.shape_cast %mul3A_636 : vector<16xf32> to vector<1x16xf32>
          tpu.vector_store %arg13[%swap3A_637, %swap3A_638], %swap3A_641 {strides = array<i32>} : memref<128x32xf32, #tpu.memory_space<vmem>>, vector<1x16xf32>,
        }
        %scan3A_108 = arith.constant 32 : i32
        "tpu.region"() ({
          %run_scoped3A = tpu.sem_alloc : memref<!tpu.dma_semaphore, #tpu.memory_space<semaphore_mem>>
          %dma_start3A = arith.constant 0 : i32
          %dma_start3A_109 = tpu.memref_slice %arg11[%add3A_84, %dma_start3A] : memref<16x128xi32, #tpu.memory_space<vmem>> -> memref<1x128xi32, #tpu.memory_space<vmem>>
          %dma_start3A_110 = tpu.memref_squeeze %dma_start3A_109 : memref<1x128xi32, #tpu.memory_space<vmem>> -> memref<128xi32, #tpu.memory_space<vmem>>
          %dma_start3A_111 = arith.constant 0 : i32
          %dma_start3A_112 = arith.constant 0 : i32
          %dma_start3A_113 = tpu.memref_slice %arg9[%dma_start3A_111, %dma_start3A_112] : memref<50048x32xf32, #tpu.memory_space<vmem_shared>> -> memref<50048x32xf32, #tpu.memory_space<vmem_shared>>
          tpu.enqueue_indirect_dma source(%arg13 : memref<128x32xf32, #tpu.memory_space<vmem>>) target(%dma_start3A_113 : memref<50048x32xf32, #tpu.memory_space<vmem_shared>>) offsets(%dma_start3A_110 : memref<128xi32, #tpu.memory_space<vmem>>) semaphore(%run_scoped3A : memref<!tpu.dma_semaphore, #tpu.memory_space<semaphore_mem>>) {add = true}
          %dma_wait3A_114 = arith.constant 0 : i32
          %dma_wait3A_115 = tpu.memref_slice %arg11[%add3A_84, %dma_wait3A_114] : memref<16x128xi32, #tpu.memory_space<vmem>> -> memref<1x128xi32, #tpu.memory_space<vmem>>
          %dma_wait3A_116 = tpu.memref_squeeze %dma_wait3A_115 : memref<1x128xi32, #tpu.memory_space<vmem>> -> memref<128xi32, #tpu.memory_space<vmem>>
          %dma_wait3A_117 = arith.constant 0 : i32
          %dma_wait3A_118 = arith.constant 0 : i32
          %dma_wait3A_119 = tpu.memref_slice %arg9[%dma_wait3A_117, %dma_wait3A_118] : memref<50048x32xf32, #tpu.memory_space<vmem_shared>> -> memref<50048x32xf32, #tpu.memory_space<vmem_shared>>
          tpu.wait_indirect_dma semaphore(%run_scoped3A : memref<!tpu.dma_semaphore, #tpu.memory_space<semaphore_mem>>) src(%arg13 : memref<128x32xf32, #tpu.memory_space<vmem>>) dst(%dma_wait3A_119 : memref<50048x32xf32, #tpu.memory_space<vmem_shared>>)
          tpu.yield
        }) : () -> ()
      }
      %scan3A_49 = arith.constant 8 : i32
    }
    %scan3A_16 = arith.constant 25 : i32
    %barrier3A_17 = arith.constant 0 : index
    tpu.barrier barrier_id(%barrier3A_17)
    "tpu.region"() ({
      %run_scoped3A = tpu.sem_alloc : memref<!tpu.dma_semaphore, #tpu.memory_space<semaphore_mem>>
      %dma_start3A = arith.constant 0 : i32
      %dma_start3A_18 = tpu.memref_slice %arg8[%arg0, %mul3A_5, %dma_start3A] : memref<2x50048x32xf32, #tpu.memory_space<hbm>> -> memref<1x3128x32xf32, #tpu.memory_space<hbm>>
      %dma_start3A_19 = tpu.memref_squeeze %dma_start3A_18 : memref<1x3128x32xf32, #tpu.memory_space<hbm>> -> memref<3128x32xf32, #tpu.memory_space<hbm>>
      %dma_start3A_20 = arith.constant 0 : i32
      %dma_start3A_21 = tpu.memref_slice %arg9[%mul3A_5, %dma_start3A_20] : memref<50048x32xf32, #tpu.memory_space<vmem_shared>> -> memref<3128x32xf32, #tpu.memory_space<vmem_shared>>
      tpu.enqueue_dma source(%dma_start3A_21 : memref<3128x32xf32, #tpu.memory_space<vmem_shared>>) target(%dma_start3A_19 : memref<3128x32xf32, #tpu.memory_space<hbm>>) target_semaphore(%run_scoped3A : memref<!tpu.dma_semaphore, #tpu.memory_space<semaphore_mem>>)
      %dma_wait3A = arith.constant 0 : i32
      %dma_wait3A_22 = tpu.memref_slice %arg8[%arg0, %mul3A_5, %dma_wait3A] : memref<2x50048x32xf32, #tpu.memory_space<hbm>> -> memref<1x3128x32xf32, #tpu.memory_space<hbm>>
      %dma_wait3A_23 = tpu.memref_squeeze %dma_wait3A_22 : memref<1x3128x32xf32, #tpu.memory_space<hbm>> -> memref<3128x32xf32, #tpu.memory_space<hbm>>
      %dma_wait3A_24 = arith.constant 0 : i32
      %dma_wait3A_25 = tpu.memref_slice %arg9[%mul3A_5, %dma_wait3A_24] : memref<50048x32xf32, #tpu.memory_space<vmem_shared>> -> memref<3128x32xf32, #tpu.memory_space<vmem_shared>>
      tpu.wait_dma2 semaphore(%run_scoped3A : memref<!tpu.dma_semaphore, #tpu.memory_space<semaphore_mem>>) src(%dma_wait3A_25 : memref<3128x32xf32, #tpu.memory_space<vmem_shared>>) dst(%dma_wait3A_23 : memref<3128x32xf32, #tpu.memory_space<hbm>>)
      tpu.yield
    }) : () -> ()
    return
  }
}

module attributes {stable_mosaic.version = 14 : i64} {
  func.func @_mlp_body(%arg0: i32, %arg1: memref<64x6400xf32, #tpu.memory_space<vmem>>, %arg2: memref<64x64xf32, #tpu.memory_space<vmem>>, %arg3: memref<1x64xf32, #tpu.memory_space<vmem>>, %arg4: memref<64x64xf32, #tpu.memory_space<vmem>>, %arg5: memref<1x64xf32, #tpu.memory_space<vmem>>, %arg6: memref<1600x128xf32, #tpu.memory_space<vmem>>, %arg7: memref<1600x128xf32, #tpu.memory_space<vmem>>) attributes {dimension_semantics = [#tpu.dimension_semantics<arbitrary>], iteration_bounds = array<i64: 125>, scalar_prefetch = 0 : i64, scratch_operands = 0 : i64, tpu.core_type = #tpu.core_type<tc>, window_params = [{transform_indices = @transform_0, window_bounds = array<i64: 64, 6400>}, {pipeline_mode = #tpu.pipeline_mode<synchronous>, transform_indices = @transform_1, window_bounds = array<i64: 64, 64>}, {pipeline_mode = #tpu.pipeline_mode<synchronous>, transform_indices = @transform_2, window_bounds = array<i64: 1, 64>}, {pipeline_mode = #tpu.pipeline_mode<synchronous>, transform_indices = @transform_3, window_bounds = array<i64: 64, 64>}, {pipeline_mode = #tpu.pipeline_mode<synchronous>, transform_indices = @transform_4, window_bounds = array<i64: 1, 64>}, {transform_indices = @transform_5, window_bounds = array<i64: 1600, 128>}, {transform_indices = @transform_6, window_bounds = array<i64: 1600, 128>}]} {
    %get3A = arith.constant 0 : index
    %get3A_0 = arith.constant 0 : index
    %get3A_1 = vector.load %arg1[%get3A, %get3A_0] : memref<64x6400xf32, #tpu.memory_space<vmem>>, vector<64x6400xf32>
    %get3A_2 = arith.constant 0 : index
    %get3A_3 = arith.constant 0 : index
    %get3A_4 = vector.load %arg2[%get3A_2, %get3A_3] : memref<64x64xf32, #tpu.memory_space<vmem>>, vector<64x64xf32>
    %dot_general3A = arith.constant dense<0.000000e+00> : vector<6400x64xf32>
    %dot_general3A_5 = tpu.matmul %get3A_1, %get3A_4, %dot_general3A {dimension_numbers = #tpu.dot_dimension_numbers<[0], [0], [1], [1], [0, 1, 1, 1], [], []>, transpose_lhs_hint = false} : vector<64x6400xf32>, vector<64x64xf32>, vector<6400x64xf32> -> vector<6400x64xf32>
    %get3A_6 = arith.constant 0 : index
    %get3A_7 = arith.constant 0 : index
    %get3A_8 = vector.load %arg3[%get3A_6, %get3A_7] : memref<1x64xf32, #tpu.memory_space<vmem>>, vector<1x64xf32>
    %add3A = vector.broadcast %get3A_8 : vector<1x64xf32> to vector<6400x64xf32>
    %add3A_9 = arith.addf %dot_general3A_5, %add3A : vector<6400x64xf32>
    %mul3A = arith.constant 5.000000e-01 : f32
    %mul3A_10 = vector.broadcast %mul3A : f32 to vector<6400x64xf32>
    %mul3A_11 = arith.mulf %mul3A_10, %add3A_9 : vector<6400x64xf32>
    %gt3A = arith.constant 1.400000e+01 : f32
    %gt3A_12 = vector.broadcast %gt3A : f32 to vector<6400x64xf32>
    %gt3A_13 = arith.cmpf ogt, %mul3A_11, %gt3A_12 : vector<6400x64xf32>
    %min3A = arith.constant 1.400000e+01 : f32
    %min3A_14 = vector.broadcast %min3A : f32 to vector<6400x64xf32>
    %min3A_15 = arith.minimumf %mul3A_11, %min3A_14 : vector<6400x64xf32>
    %exp3A = math.exp %min3A_15 : vector<6400x64xf32>
    %log1p3A = math.log1p %exp3A : vector<6400x64xf32>
    %mul3A_16 = arith.constant 2.000000e+00 : f32
    %mul3A_17 = vector.broadcast %mul3A_16 : f32 to vector<6400x64xf32>
    %mul3A_18 = arith.mulf %mul3A_17, %log1p3A : vector<6400x64xf32>
    %select_n3A = arith.select %gt3A_13, %add3A_9, %mul3A_18 : vector<6400x64xi1>, vector<6400x64xf32>
    %get3A_19 = arith.constant 0 : index
    %get3A_20 = arith.constant 0 : index
    %get3A_21 = vector.load %arg4[%get3A_19, %get3A_20] : memref<64x64xf32, #tpu.memory_space<vmem>>, vector<64x64xf32>
    %dot_general3A_22 = arith.constant dense<0.000000e+00> : vector<6400x64xf32>
    %dot_general3A_23 = tpu.matmul %select_n3A, %get3A_21, %dot_general3A_22 {dimension_numbers = #tpu.dot_dimension_numbers<[1], [0], [0], [1], [0, 0, 1, 1], [], []>, transpose_lhs_hint = false} : vector<6400x64xf32>, vector<64x64xf32>, vector<6400x64xf32> -> vector<6400x64xf32>
    %get3A_24 = arith.constant 0 : index
    %get3A_25 = arith.constant 0 : index
    %get3A_26 = vector.load %arg5[%get3A_24, %get3A_25] : memref<1x64xf32, #tpu.memory_space<vmem>>, vector<1x64xf32>
    %add3A_27 = vector.broadcast %get3A_26 : vector<1x64xf32> to vector<6400x64xf32>
    %add3A_28 = arith.addf %dot_general3A_23, %add3A_27 : vector<6400x64xf32>
    %slice3A = vector.extract_strided_slice %add3A_28 {offsets = [0, 0], sizes = [1600, 32], strides = [1, 1]} : vector<6400x64xf32> to vector<1600x32xf32>
    %slice3A_29 = vector.extract_strided_slice %add3A_28 {offsets = [1600, 0], sizes = [1600, 32], strides = [1, 1]} : vector<6400x64xf32> to vector<1600x32xf32>
    %slice3A_30 = vector.extract_strided_slice %add3A_28 {offsets = [3200, 0], sizes = [1600, 32], strides = [1, 1]} : vector<6400x64xf32> to vector<1600x32xf32>
    %slice3A_31 = vector.extract_strided_slice %add3A_28 {offsets = [4800, 0], sizes = [1600, 32], strides = [1, 1]} : vector<6400x64xf32> to vector<1600x32xf32>
    %concatenate3A = tpu.concatenate %slice3A, %slice3A_29, %slice3A_30, %slice3A_31 in 1 : vector<1600x32xf32>, vector<1600x32xf32>, vector<1600x32xf32>, vector<1600x32xf32> -> vector<1600x128xf32>
    %swap3A = arith.constant 0 : index
    %swap3A_32 = arith.constant 0 : index
    %swap3A_33 = vector.load %arg6[%swap3A, %swap3A_32] : memref<1600x128xf32, #tpu.memory_space<vmem>>, vector<1600x128xf32>
    tpu.vector_store %arg6[%swap3A, %swap3A_32], %concatenate3A {strides = array<i32>} : memref<1600x128xf32, #tpu.memory_space<vmem>>, vector<1600x128xf32>,
    %slice3A_34 = vector.extract_strided_slice %add3A_28 {offsets = [0, 32], sizes = [1600, 32], strides = [1, 1]} : vector<6400x64xf32> to vector<1600x32xf32>
    %slice3A_35 = vector.extract_strided_slice %add3A_28 {offsets = [1600, 32], sizes = [1600, 32], strides = [1, 1]} : vector<6400x64xf32> to vector<1600x32xf32>
    %slice3A_36 = vector.extract_strided_slice %add3A_28 {offsets = [3200, 32], sizes = [1600, 32], strides = [1, 1]} : vector<6400x64xf32> to vector<1600x32xf32>
    %slice3A_37 = vector.extract_strided_slice %add3A_28 {offsets = [4800, 32], sizes = [1600, 32], strides = [1, 1]} : vector<6400x64xf32> to vector<1600x32xf32>
    %concatenate3A_38 = tpu.concatenate %slice3A_34, %slice3A_35, %slice3A_36, %slice3A_37 in 1 : vector<1600x32xf32>, vector<1600x32xf32>, vector<1600x32xf32>, vector<1600x32xf32> -> vector<1600x128xf32>
    %swap3A_39 = arith.constant 0 : index
    %swap3A_40 = arith.constant 0 : index
    %swap3A_41 = vector.load %arg7[%swap3A_39, %swap3A_40] : memref<1600x128xf32, #tpu.memory_space<vmem>>, vector<1600x128xf32>
    tpu.vector_store %arg7[%swap3A_39, %swap3A_40], %concatenate3A_38 {strides = array<i32>} : memref<1600x128xf32, #tpu.memory_space<vmem>>, vector<1600x128xf32>,
    return
  }
  func.func @transform_0(%arg0: i32) -> (i32, i32) {
    %c0_i32 = arith.constant 0 : i32
    %c0_i32_0 = arith.constant 0 : i32
    return %c0_i32, %arg0 : i32, i32
  }
  func.func @transform_1(%arg0: i32) -> (i32, i32) {
    %c0_i32 = arith.constant 0 : i32
    %c0_i32_0 = arith.constant 0 : i32
    %c0_i32_1 = arith.constant 0 : i32
    return %c0_i32, %c0_i32_0 : i32, i32
  }
  func.func @transform_2(%arg0: i32) -> (i32, i32) {
    %c0_i32 = arith.constant 0 : i32
    %c0_i32_0 = arith.constant 0 : i32
    %c0_i32_1 = arith.constant 0 : i32
    return %c0_i32, %c0_i32_0 : i32, i32
  }
  func.func @transform_3(%arg0: i32) -> (i32, i32) {
    %c0_i32 = arith.constant 0 : i32
    %c0_i32_0 = arith.constant 0 : i32
    %c0_i32_1 = arith.constant 0 : i32
    return %c0_i32, %c0_i32_0 : i32, i32
  }
  func.func @transform_4(%arg0: i32) -> (i32, i32) {
    %c0_i32 = arith.constant 0 : i32
    %c0_i32_0 = arith.constant 0 : i32
    %c0_i32_1 = arith.constant 0 : i32
    return %c0_i32, %c0_i32_0 : i32, i32
  }
  func.func @transform_5(%arg0: i32) -> (i32, i32) {
    %c0_i32 = arith.constant 0 : i32
    %c0_i32_0 = arith.constant 0 : i32
    return %arg0, %c0_i32 : i32, i32
  }
  func.func @transform_6(%arg0: i32) -> (i32, i32) {
    %c0_i32 = arith.constant 0 : i32
    %c0_i32_0 = arith.constant 0 : i32
    return %arg0, %c0_i32 : i32, i32
  }
}

</mosaic_0001>

<sc_bundles>
// kernel: kernel.4.cloned.1.call-start
scs
__scs_entry_jumppad:
0x0: {  	(pc) =	sbr.rel $0x88, $3  }
0x1: {  	(tag) =	ssettag $0x0;
	lr =	simm.s32 $0x1  }
0x2: {  	[smem:$0x3F9A] =	sst lr;
	_ =	strace $0xD0000000  }
0x3: {  	_ = 	snop  }
0x4: {  	_ = 	snop  }
0x5: {  	_ = 	snop  }
0x6: {  	_ = 	snop  }
0x7: {  	_ = 	snop  }
__scs_overlays_trampoline_lowered:
0x8: {  	[smem:$0x3FA9] =	sst s0  }
0x9: {  	[smem:$0x3FAA] =	sst s1  }
0xa: {  	[smem:$0x3FAB] =	sst s2  }
0xb: {  	[smem:$0x3FAC] =	sst s3  }
0xc: {  	[smem:$0x3FAD] =	sst s4  }
0xd: {  	[smem:$0x3FAE] =	sst s5  }
0xe: {  	[smem:$0x3FAF] =	sst s6  }
0xf: {  	[smem:$0x3FB0] =	sst s7  }
0x10: {  	[smem:$0x3FB1] =	sst s8  }
0x11: {  	[smem:$0x3FB2] =	sst s9;
	s0 =	simm.s32 @!p0 $0x0  }
0x12: {  	s1 =	sld [smem:$0x3F98];
	s0 =	simm.s32 @p0 $0x1  }
0x13: {  	[smem:$0x3FB3] =	sst s0;
	s0 =	simm.s32 @!p1 $0x0  }
0x14: {  	s2 =	sld [smem:$0x3F97];
	s0 =	simm.s32 @p1 $0x1  }
0x15: {  	[smem:$0x3FB4] =	sst s0;
	s0 =	simm.s32 @!p2 $0x0  }
0x16: {  	s3 =	sld [smem:$0x3FDB];
	s0 =	simm.s32 @p2 $0x1  }
0x17: {  	s4 =	simm.s32 $0x1BF5;
	[smem:$0x3FB6] =	sst s0  }
0x18: {  	s0 =	sld [smem:$0x3F99];
	_ =	swait.ge [sflag:s4], $0x0  }
0x19: {  	s7 =	sld [smem:$0x3F9A]  }
0x1a: {  	s8 =	sadd.s32 $0xFFFFE003, lr  }
0x1b: {  	s9 =	sadd.s32 $0xFFFFFEF7, lr;
	s5 =	simm.s32 $0xFFFFFFFF;
	p2 =	slt.u32 s8, $0xFFFFF086  }
0x1c: {  	p1 =	slt.u32 s9, $0xF7A;
	s5 =	simm.s32 @!p2 $0x0  }
0x1d: {  	s5 =	simm.s32 @p1 $0x1;
	p0 =	seq.s32 s7, s2  }
0x1e: {  	s7 =	smul.u32 @!p0 $0xF7A, s2;
	p2 =	seq.s32 @!p0 s5, $0x0  }
0x1f: {  	s9 =	smul.u32 $0xF7A, s1;
	s8 =	simm.s32 @!p0 $0x1BF5;
	p2 =	por !p2, p0  }
0x20: {  	[sflag:s8] =	ssyncset.s32 @!p0 $0xFFFFF086;
	s6 =	sadd.s32 @!p0 s3, s7;
	s7 =	simm.s32 @!p0 $0x108  }
0x21: {  	s3 =	sadd.s32 s3, s9;
	s6 =	sadd.s32 @!p0 $0x88, s6;
	s7 =	simm.s32 @p2 $0x1082  }
0x22: {  	[simem:s7], [sflag:s8] =	dma.local @!p0 [hbm:s6], $0xF7A  }
0x23: {  	s9 =	sor.u32 $0xD0000000, s2;
	s6 =	simm.s32 $0x108;
	_ =	swait.ge @!p0 [sflag:s8], $0x0  }
0x24: {  	s3 =	sadd.s32 $0x88, s3;
	s6 =	simm.s32 @!p1 $0x1082;
	[sflag:s4] =	ssyncset.s32 $0xFFFFF086  }
0x25: {  	[simem:s6], [sflag:s4] =	dma.local [hbm:s3], $0xF7A  }
0x26: {  	[smem:$0x3F9A] =	sst s1;
	(tag) =	ssettag s2;
	_ =	strace s9  }
0x27: {  	s1 =	sld [smem:$0x3FAA]  }
0x28: {  	s2 =	sld [smem:$0x3FAB]  }
0x29: {  	s4 =	sld [smem:$0x3FAD]  }
0x2a: {  	p0 =	seq.s32 s5, $0x0;
	s5 =	sld [smem:$0x3FAE]  }
0x2b: {  	s6 =	sld [smem:$0x3FAF]  }
0x2c: {  	s7 =	sld [smem:$0x3FB0]  }
0x2d: {  	s3 =	simm.s32 $0x108;
	s8 =	sld [smem:$0x3FB1]  }
0x2e: {  	s3 =	simm.s32 @!p0 $0x1082;
	s9 =	sld [smem:$0x3FB2]  }
0x2f: {  	lr =	sadd.s32 s0, s3;
	s0 =	sld [smem:$0x3FA9]  }
0x30: {  	s3 =	sld [smem:$0x3FAC]  }
0x31: {  	[smem:$0x3FB5] =	sst s10  }
0x32: {  	s10 =	sld [smem:$0x3FB3];
	_ =	sdelay $0x3  }
0x33: {  	p0 =	seq.s32 s10, $0x1;
	s10 =	sld [smem:$0x3FB5];
	_ =	sdelay $0x3  }
0x34: {  	[smem:$0x3FB5] =	sst s10  }
0x35: {  	s10 =	sld [smem:$0x3FB4];
	_ =	sdelay $0x3  }
0x36: {  	p1 =	seq.s32 s10, $0x1;
	s10 =	sld [smem:$0x3FB5];
	_ =	sdelay $0x3  }
0x37: {  	[smem:$0x3FB5] =	sst s10  }
0x38: {  	s10 =	sld [smem:$0x3FB6]  }
0x39: {  	_ = 	snop;
	(pc) =	sbr.ind lr, $3  }
0x3a: {  	_ = 	snop  }
0x3b: {  	_ = 	snop  }
0x3c: {  	p2 =	seq.s32 s10, $0x1;
	s10 =	sld [smem:$0x3FB5]  }
0x3d: {  	_ =	shalt  }
0x3e: {  	_ =	shalt  }
0x3f: {  	_ =	shalt  }
0x40: {  	_ =	shalt  }
0x41: {  	_ =	shalt  }
0x42: {  	_ =	shalt  }
0x43: {  	_ =	shalt  }
0x44: {  	_ =	shalt  }
0x45: {  	_ =	shalt  }
0x46: {  	_ =	shalt  }
0x47: {  	_ =	shalt  }
0x48: {  	_ =	shalt  }
0x49: {  	_ =	shalt  }
0x4a: {  	_ =	shalt  }
0x4b: {  	_ =	shalt  }
0x4c: {  	_ =	shalt  }
0x4d: {  	_ =	shalt  }
0x4e: {  	_ =	shalt  }
0x4f: {  	_ =	shalt  }
0x50: {  	_ =	shalt  }
0x51: {  	_ =	shalt  }
0x52: {  	_ =	shalt  }
0x53: {  	_ =	shalt  }
0x54: {  	_ =	shalt  }
0x55: {  	_ =	shalt  }
0x56: {  	_ =	shalt  }
0x57: {  	_ =	shalt  }
0x58: {  	_ =	shalt  }
0x59: {  	_ =	shalt  }
0x5a: {  	_ =	shalt  }
0x5b: {  	_ =	shalt  }
0x5c: {  	_ =	shalt  }
0x5d: {  	_ =	shalt  }
0x5e: {  	_ =	shalt  }
0x5f: {  	_ =	shalt  }
0x60: {  	_ =	shalt  }
0x61: {  	_ =	shalt  }
0x62: {  	_ =	shalt  }
0x63: {  	_ =	shalt  }
0x64: {  	_ =	shalt  }
0x65: {  	_ =	shalt  }
0x66: {  	_ =	shalt  }
0x67: {  	_ =	shalt  }
0x68: {  	_ =	shalt  }
0x69: {  	_ =	shalt  }
0x6a: {  	_ =	shalt  }
0x6b: {  	_ =	shalt  }
0x6c: {  	_ =	shalt  }
0x6d: {  	_ =	shalt  }
0x6e: {  	_ =	shalt  }
0x6f: {  	_ =	shalt  }
0x70: {  	_ =	shalt  }
0x71: {  	_ =	shalt  }
0x72: {  	_ =	shalt  }
0x73: {  	_ =	shalt  }
0x74: {  	_ =	shalt  }
0x75: {  	_ =	shalt  }
0x76: {  	_ =	shalt  }
0x77: {  	_ =	shalt  }
0x78: {  	_ =	shalt  }
0x79: {  	_ =	shalt  }
0x7a: {  	_ =	shalt  }
0x7b: {  	_ =	shalt  }
0x7c: {  	_ =	shalt  }
0x7d: {  	_ =	shalt  }
0x7e: {  	_ =	shalt  }
0x7f: {  	_ =	shalt  }
0x80: {  	_ =	shalt  }
0x81: {  	_ =	shalt  }
0x82: {  	_ =	shalt  }
0x83: {  	_ =	shalt  }
0x84: {  	_ =	shalt  }
0x85: {  	_ =	shalt  }
0x86: {  	_ =	shalt  }
0x87: {  	_ =	shalt  }
.Lfunc_end0:
.L_simem_size_0:
called_computation_lowered:
.L_overlay_start_0:
0x88: {  	s2 =	sld [smem:$0x3FD9]  }
0x89: {  	s3 =	sld [smem:$0x3FFE];
	_ =	sdelay $0x1  }
0x8a: {  	s1 =	srdreg.scid  }
0x8b: {  	s0 =	sand.u32 $0x1, s1  }
0x8c: {  	s17 =	sshll.u32 s0, $0xA;
	s2 =	sadd.s32 s3, s2  }
0x8d: {  	s2 =	sadd.s32 s2, s17  }
0x8e: {  	[smem:$0x3FC1] =	sst s2  }
0x8f: {  	_ = 	snop  }
0x90: {  	s2 =	sld [smem:$0x3FD0];
	(tm) =	ssettm $0x1  }
0x91: {  	s18 =	sld [smem:$0x3FFB];
	_ =	sdelay $0x3  }
0x92: {  	_ =	strace s18  }
0x93: {  	s3 =	sld [smem:$0x3FFC];
	_ =	sdelay $0x3  }
0x94: {  	_ =	strace s3  }
0x95: {  	s3 =	sld [smem:$0x3FFD];
	_ =	sdelay $0x3  }
0x96: {  	_ =	strace s3  }
0x97: {  	_ =	strace $0x8FFFFFFF  }
0x98: {  	s19 =	sld [smem:$0x3FDB];
	_ =	sdelay $0x1  }
0x99: {  	s4 =	simm.s32 $_scs_section_size  }
0x9a: {  	s5 =	simm.s32 $_size__tile_overlayer_lowered;
	s6 =	simm.s32 $_tile_overlayer_lowered  }
0x9b: {  	s22 =	simm.s32 $0x1BFF;
	s21 =	sshll.u32 s6, $0x1;
	s3 =	sadd.s32 s4, s19  }
0x9c: {  	s7 =	simm.s32 $0x0;
	s20 =	sshll.u32 s5, $0x1;
	s5 =	sadd.s32 s21, s3  }
0x9d: {  	[timem:s7], [sflag:s22] =	dma.local [hbm:s5], s20  }
0x9e: {  	_ =	swait.ge [sflag:s22], s20  }
0x9f: {  	s4 =	ssub.s32 $0x0, s20;
	[sflag:s22] =	ssyncset.done $0x0  }
0xa0: {  	[sflag:s22] =	ssyncadd.s32 s4;
	_ =	sdelay $0x1  }
0xa1: {  	s23 =	simm.s32 $0x1B8B  }
0xa2: {  	_ =	swait.ge [sflag:s23], $0x1  }
0xa3: {  	[sflag:s23] =	ssyncset.done $0x0  }
0xa4: {  	s25 =	simm.s32 $0x1B8E;
	s24 =	sld [smem:$0x3FFE];
	[sflag:s23] =	ssyncadd.s32 $0xFFFFFFFF  }
0xa5: {  	s26 =	simm.s32 $execute0_lowered;
	[smem:$0x3FD2] =	sst s25  }
0xa6: {  	s5 =	sshll.u32 s26, $0x1;
	_ =	strace $0x80000046;
	[dreg:$0x1] =	wrdreg $0xFFFFFFFF  }
0xa7: {  	s28 =	simm.s32 $_size_execute0_lowered;
	s3 =	sadd.s32 s3, s5;
	[dreg:$0x0] =	wrdreg $0x0  }
0xa8: {  	s5 =	sshll.u32 s28, $0x1;
	[dreg:$0x2] =	wrdreg s3  }
0xa9: {  	[dreg:$0x3] =	wrdreg s5  }
0xaa: {  	[dreg:$0x4] =	wrdreg $0xC0  }
0xab: {  	_ =	task [dreg:s7], $0x5FFFF  }
0xac: {  	[dreg:$0x1] =	wrdreg $0xFFFFFFFF  }
0xad: {  	[dreg:$0x0] =	wrdreg $0x60  }
0xae: {  	[dreg:$0x2] =	wrdreg s24  }
0xaf: {  	[dreg:$0x3] =	wrdreg s2  }
0xb0: {  	[dreg:$0x4] =	wrdreg $0x0  }
0xb1: {  	[dreg:$0x5] =	wrdreg $0x9  }
0xb2: {  	_ =	task.clear_ibuf [dreg:s7], $0x6FFFF;
	_ =	strace $0x90000046  }
0xb3: {  	s29 =	simm.s32 $0x9;
	_ =	strace $0x80000048  }
0xb4: {  	_ =	swait.ge [sflag:s29], $0x1  }
0xb5: {  	[sflag:s29] =	ssyncadd.s32 $0xFFFFFFFF  }
0xb6: {  	_ =	strace $0x90000048  }
0xb7: {  	_ =	sfence  }
0xb8: {  	s30 =	sld [smem:$0x0];
	_ =	sdelay $0x2  }
0xb9: {  	s31 =	sshll.u32 s1, $0xD;
	s1 =	sshrl.u32 s1, $0x2  }
0xba: {  	s3 =	sand.u32 $0x4000, s31;
	s1 =	sadd.s32 s1, s30  }
0xbb: {  	s0 =	sor.u32 s3, s0;
	s1 =	sshll.u32 s1, $0x11  }
0xbc: {  	s0 =	sor.u32 s1, s0  }
0xbd: {  	s0 =	sadd.s32 $0x8F2B, s0  }
0xbe: {  	[sflag:s0] =	ssyncadd.remote.s32 $0x1  }
0xbf: {  	_ =	sfence.sel $0xFFFF  }
0xc0: {  	[dreg:$0x0] =	wrdreg $0xFFFFFFFF;
	(pc) =	sbr.abs _section_cstart, $3  }
0xc1: {  	[dreg:$0x1] =	wrdreg $0xFFFFFFFF  }
0xc2: {  	_ =	task.clear_ibuf [dreg:s7], $0x2FFFF;
	_ =	strace $0x9FFFFFFF  }
0xc3: {  	(tm) =	ssettm $0x7FFFFFFF  }
tec
execute0_lowered:
.L_overlay_start_1:
0x0: {  	(tag) =	ssettag $0x1  }
0x1: {  	s0 =	rddreg [dreg:$0x0]  }
0x2: {  	s3 =	rddreg [dreg:$0x1]  }
0x3: {  	s1 =	rddreg [dreg:$0x2];
	s2 =	simm.s32 $0x0;
	s6 =	srdreg.scid  }
0x4: {  	s15 =	stileid.u32;
	[smem:$0x7FF] =	sst s2;
	s9 =	sadd.s32 $0x64E00, s0  }
0x5: {  	s4 =	sadd.s32 $0x34000, s0;
	s5 =	sadd.s32 $0x1000, s0;
	s7 =	smul.u32 $0x61C00, s15  }
0x6: {  	s11 =	sand.u32 $0x1, s6;
	s6 =	sadd.s32 $0x1A000, s0;
	s14 =	smul.u32 $0x18700, s15  }
0x7: {  	s12 =	sadd.s32 $0x95C00, s0;
	_ =	strace $0x80000047;
	s13 =	ssub.s32 $0x2, s11  }
0x8: {  	s8 =	sshrl.u32 s7, $0x2;
	s7 =	sadd.s32 $0x3B5C00, s0;
	s23 =	sadd.s32 s14, s1  }
0x9: {  	s19 =	sshrl.u32 s13, $0x1;
	s8 =	sadd.s32 s8, s1;
	s18 =	sshrl.u32 s23, $0x3  }
0xa: {  	s0 =	ssub.s32 s13, s19;
	s20 =	sadd.s32 $0x18000, s8;
	[dreg:$0x13] =	wrdreg s18  }
0xb: {  	s0 =	smax.u32 s0, $0x1;
	[dreg:$0x4] =	wrdreg s20  }
0xc: {  	s24 =	sadd.s32 $0x1000, s8;
	[dreg:$0x6] =	wrdreg s0  }
0xd: {  	s25 =	sadd.s32 $0x2000, s8;
	[dreg:$0x7] =	wrdreg s24  }
0xe: {  	s26 =	sadd.s32 $0x3000, s8;
	[dreg:$0x8] =	wrdreg s25  }
0xf: {  	s29 =	sadd.s32 $0x4000, s8;
	[dreg:$0x9] =	wrdreg s26  }
0x10: {  	s30 =	sadd.s32 $0x5000, s8;
	[dreg:$0xa] =	wrdreg s29  }
0x11: {  	s10 =	smul.u32 $0x187000, s11;
	s31 =	sadd.s32 $0x6000, s8;
	[dreg:$0xb] =	wrdreg s30  }
0x12: {  	p0 =	seq.s32 s11, $0x0;
	s11 =	sadd.s32 $0x7000, s8;
	[dreg:$0xc] =	wrdreg s31  }
0x13: {  	s13 =	sadd.s32 $0x8000, s8;
	[dreg:$0xd] =	wrdreg s11  }
0x14: {  	s21 =	sadd.s32 s14, s10;
	s14 =	sadd.s32 $0x9000, s8;
	[dreg:$0xe] =	wrdreg s13  }
0x15: {  	s10 =	smul.u32 $0x190, s15;
	s15 =	sadd.s32 $0xA000, s8;
	[dreg:$0xf] =	wrdreg s14  }
0x16: {  	s16 =	sadd.s32 $0xB000, s8;
	[dreg:$0x10] =	wrdreg s15  }
0x17: {  	s17 =	sadd.s32 $0xC000, s8;
	[dreg:$0x11] =	wrdreg s16  }
0x18: {  	s28 =	simm.s32 $0x0;
	s19 =	sadd.s32 $0xD000, s8;
	[dreg:$0x12] =	wrdreg s17  }
0x19: {  	s22 =	sshrl.u32 s21, $0x3;
	s21 =	sadd.s32 $0xF000, s8;
	[dreg:$0x14] =	wrdreg s19  }
0x1a: {  	s4 =	smov.u32 @p0 s9;
	s23 =	sadd.s32 $0x11000, s8;
	[dreg:$0x16] =	wrdreg s21  }
0x1b: {  	s7 =	smov.u32 @p0 s12;
	s3 =	sadd.s32 s3, s22;
	[dreg:$0x18] =	wrdreg s23  }
0x1c: {  	s18 =	simm.s32 $0x80;
	s20 =	sadd.s32 $0xE000, s8;
	[dreg:$0x5] =	wrdreg s3  }
0x1d: {  	s22 =	sadd.s32 $0x10000, s8;
	s24 =	sadd.s32 $0x12000, s8;
	[dreg:$0x15] =	wrdreg s20  }
0x1e: {  	s25 =	sadd.s32 $0x13000, s8;
	s26 =	sadd.s32 $0x14000, s8;
	[dreg:$0x17] =	wrdreg s22  }
0x1f: {  	s29 =	sadd.s32 $0x15000, s8;
	s30 =	sadd.s32 $0x16000, s8;
	[dreg:$0x19] =	wrdreg s24  }
0x20: {  	s31 =	sadd.s32 $0x17000, s8;
	s14 =	simm.s32 $0x19700;
	[dreg:$0x1a] =	wrdreg s25  }
0x21: {  	s15 =	simm.s32 $0x5;
	s16 =	simm.s32 $0x18700;
	[dreg:$0x1b] =	wrdreg s26  }
0x22: {  	s17 =	simm.s32 $0x18F00;
	s19 =	simm.s32 $0x1B700;
	[dreg:$0x1c] =	wrdreg s29  }
0x23: {  	s21 =	simm.s32 $0x1C700;
	s23 =	simm.s32 $0x3;
	[dreg:$0x1d] =	wrdreg s30  }
0x24: {  	[dreg:$0x1e] =	wrdreg s31;
	s20 =	simm.s32 $0x1A700;
	s22 =	simm.s32 $0x1  }
0x25: {  	v0 =	vimm.f32 $0.0e+00;
	s24 =	simm.s32 $0x2;
	s25 =	simm.s32 $0x4;
	s26 =	simm.s32 $0x0  }
.LBB2_1:
0x26: {  	s0 =	simm.s32 $0x80;
	s3 =	simm.s32 $0x0  }
.LBB2_2:
0x27: {  	p0 =	sne.s32 s0, $0x3F80;
	[tilespmem:s3+$0x19700] =	vst v0;
	s9 =	smov.u32 s0;
	s0 =	sadd.s32 $0x80, s0  }
.Ltmp0:
0x28: {  	[tilespmem:s3+$0x19710] =	vst v0;
	(pc) =	sbr.rel @p0 .LBB2_2-.Ltmp0, $2  }
0x29: {  	_ =	sdelay $0x2  }
0x2a: {  	s3 =	sshra.s32 s9, $0x2  }
0x2b: {  	[tilespmem:s3+$0x19700] =	vst v0  }
0x2c: {  	[tilespmem:s3+$0x19710] =	vst v0  }
0x2d: {  	[spmem:s8] =	stream.linear.scatter [tilespmem:s14], [sflag:$0x5], $0x1000, $0x38;
	[tilespmem:$0x1D700] =	vst v63  }
0x2e: {  	_ =	swait.ge [sflag:s15], $0x1000  }
0x2f: {  	[sflag:s15] =	ssyncset.done $0x0  }
0x30: {  	s0 =	rddreg [dreg:$0x7];
	[sflag:s15] =	ssyncadd.s32 $0xFFFFF000  }
0x31: {  	[spmem:s0] =	stream.linear.scatter [tilespmem:s14], [sflag:$0x5], $0x1000, $0x38;
	[tilespmem:$0x1D700] =	vst v63  }
0x32: {  	_ =	swait.ge [sflag:s15], $0x1000  }
0x33: {  	[sflag:s15] =	ssyncset.done $0x0  }
0x34: {  	s30 =	rddreg [dreg:$0x8];
	[sflag:s15] =	ssyncadd.s32 $0xFFFFF000  }
0x35: {  	[spmem:s30] =	stream.linear.scatter [tilespmem:s14], [sflag:$0x5], $0x1000, $0x38;
	[tilespmem:$0x1D700] =	vst v63  }
0x36: {  	_ =	swait.ge [sflag:s15], $0x1000  }
0x37: {  	[sflag:s15] =	ssyncset.done $0x0  }
0x38: {  	s31 =	rddreg [dreg:$0x9];
	[sflag:s15] =	ssyncadd.s32 $0xFFFFF000  }
0x39: {  	[spmem:s31] =	stream.linear.scatter [tilespmem:s14], [sflag:$0x5], $0x1000, $0x38;
	[tilespmem:$0x1D700] =	vst v63  }
0x3a: {  	_ =	swait.ge [sflag:s15], $0x1000  }
0x3b: {  	[sflag:s15] =	ssyncset.done $0x0  }
0x3c: {  	s3 =	rddreg [dreg:$0xa];
	[sflag:s15] =	ssyncadd.s32 $0xFFFFF000  }
0x3d: {  	[spmem:s3] =	stream.linear.scatter [tilespmem:s14], [sflag:$0x5], $0x1000, $0x38;
	[tilespmem:$0x1D700] =	vst v63  }
0x3e: {  	_ =	swait.ge [sflag:s15], $0x1000  }
0x3f: {  	[sflag:s15] =	ssyncset.done $0x0  }
0x40: {  	s9 =	rddreg [dreg:$0xb];
	[sflag:s15] =	ssyncadd.s32 $0xFFFFF000  }
0x41: {  	[spmem:s9] =	stream.linear.scatter [tilespmem:s14], [sflag:$0x5], $0x1000, $0x38;
	[tilespmem:$0x1D700] =	vst v63  }
0x42: {  	_ =	swait.ge [sflag:s15], $0x1000  }
0x43: {  	[sflag:s15] =	ssyncset.done $0x0  }
0x44: {  	s11 =	rddreg [dreg:$0xc];
	[sflag:s15] =	ssyncadd.s32 $0xFFFFF000  }
0x45: {  	[spmem:s11] =	stream.linear.scatter [tilespmem:s14], [sflag:$0x5], $0x1000, $0x38;
	[tilespmem:$0x1D700] =	vst v63  }
0x46: {  	_ =	swait.ge [sflag:s15], $0x1000  }
0x47: {  	[sflag:s15] =	ssyncset.done $0x0  }
0x48: {  	s12 =	rddreg [dreg:$0xd];
	[sflag:s15] =	ssyncadd.s32 $0xFFFFF000  }
0x49: {  	[spmem:s12] =	stream.linear.scatter [tilespmem:s14], [sflag:$0x5], $0x1000, $0x38;
	[tilespmem:$0x1D700] =	vst v63  }
0x4a: {  	_ =	swait.ge [sflag:s15], $0x1000  }
0x4b: {  	[sflag:s15] =	ssyncset.done $0x0  }
0x4c: {  	s13 =	rddreg [dreg:$0xe];
	[sflag:s15] =	ssyncadd.s32 $0xFFFFF000  }
0x4d: {  	[spmem:s13] =	stream.linear.scatter [tilespmem:s14], [sflag:$0x5], $0x1000, $0x38;
	[tilespmem:$0x1D700] =	vst v63  }
0x4e: {  	_ =	swait.ge [sflag:s15], $0x1000  }
0x4f: {  	[sflag:s15] =	ssyncset.done $0x0  }
0x50: {  	s30 =	rddreg [dreg:$0xf];
	[sflag:s15] =	ssyncadd.s32 $0xFFFFF000  }
0x51: {  	[spmem:s30] =	stream.linear.scatter [tilespmem:s14], [sflag:$0x5], $0x1000, $0x38;
	[tilespmem:$0x1D700] =	vst v63  }
0x52: {  	_ =	swait.ge [sflag:s15], $0x1000  }
0x53: {  	[sflag:s15] =	ssyncset.done $0x0  }
0x54: {  	s31 =	rddreg [dreg:$0x10];
	[sflag:s15] =	ssyncadd.s32 $0xFFFFF000  }
0x55: {  	[spmem:s31] =	stream.linear.scatter [tilespmem:s14], [sflag:$0x5], $0x1000, $0x38;
	[tilespmem:$0x1D700] =	vst v63  }
0x56: {  	_ =	swait.ge [sflag:s15], $0x1000  }
0x57: {  	[sflag:s15] =	ssyncset.done $0x0  }
0x58: {  	s3 =	rddreg [dreg:$0x11];
	[sflag:s15] =	ssyncadd.s32 $0xFFFFF000  }
0x59: {  	[spmem:s3] =	stream.linear.scatter [tilespmem:s14], [sflag:$0x5], $0x1000, $0x38;
	[tilespmem:$0x1D700] =	vst v63  }
0x5a: {  	_ =	swait.ge [sflag:s15], $0x1000  }
0x5b: {  	[sflag:s15] =	ssyncset.done $0x0  }
0x5c: {  	s9 =	rddreg [dreg:$0x12];
	[sflag:s15] =	ssyncadd.s32 $0xFFFFF000  }
0x5d: {  	[spmem:s9] =	stream.linear.scatter [tilespmem:s14], [sflag:$0x5], $0x1000, $0x38;
	[tilespmem:$0x1D700] =	vst v63  }
0x5e: {  	_ =	swait.ge [sflag:s15], $0x1000  }
0x5f: {  	[sflag:s15] =	ssyncset.done $0x0  }
0x60: {  	s11 =	rddreg [dreg:$0x14];
	[sflag:s15] =	ssyncadd.s32 $0xFFFFF000  }
0x61: {  	[spmem:s11] =	stream.linear.scatter [tilespmem:s14], [sflag:$0x5], $0x1000, $0x38;
	[tilespmem:$0x1D700] =	vst v63  }
0x62: {  	_ =	swait.ge [sflag:s15], $0x1000  }
0x63: {  	[sflag:s15] =	ssyncset.done $0x0  }
0x64: {  	s12 =	rddreg [dreg:$0x15];
	[sflag:s15] =	ssyncadd.s32 $0xFFFFF000  }
0x65: {  	[spmem:s12] =	stream.linear.scatter [tilespmem:s14], [sflag:$0x5], $0x1000, $0x38;
	[tilespmem:$0x1D700] =	vst v63  }
0x66: {  	_ =	swait.ge [sflag:s15], $0x1000  }
0x67: {  	[sflag:s15] =	ssyncset.done $0x0  }
0x68: {  	s13 =	rddreg [dreg:$0x16];
	[sflag:s15] =	ssyncadd.s32 $0xFFFFF000  }
0x69: {  	[spmem:s13] =	stream.linear.scatter [tilespmem:s14], [sflag:$0x5], $0x1000, $0x38;
	[tilespmem:$0x1D700] =	vst v63  }
0x6a: {  	_ =	swait.ge [sflag:s15], $0x1000  }
0x6b: {  	[sflag:s15] =	ssyncset.done $0x0  }
0x6c: {  	s30 =	rddreg [dreg:$0x17];
	[sflag:s15] =	ssyncadd.s32 $0xFFFFF000  }
0x6d: {  	[spmem:s30] =	stream.linear.scatter [tilespmem:s14], [sflag:$0x5], $0x1000, $0x38;
	[tilespmem:$0x1D700] =	vst v63  }
0x6e: {  	_ =	swait.ge [sflag:s15], $0x1000  }
0x6f: {  	[sflag:s15] =	ssyncset.done $0x0  }
0x70: {  	s31 =	rddreg [dreg:$0x18];
	[sflag:s15] =	ssyncadd.s32 $0xFFFFF000  }
0x71: {  	[spmem:s31] =	stream.linear.scatter [tilespmem:s14], [sflag:$0x5], $0x1000, $0x38;
	[tilespmem:$0x1D700] =	vst v63  }
0x72: {  	_ =	swait.ge [sflag:s15], $0x1000  }
0x73: {  	[sflag:s15] =	ssyncset.done $0x0  }
0x74: {  	s3 =	rddreg [dreg:$0x19];
	[sflag:s15] =	ssyncadd.s32 $0xFFFFF000  }
0x75: {  	[spmem:s3] =	stream.linear.scatter [tilespmem:s14], [sflag:$0x5], $0x1000, $0x38;
	[tilespmem:$0x1D700] =	vst v63  }
0x76: {  	_ =	swait.ge [sflag:s15], $0x1000  }
0x77: {  	[sflag:s15] =	ssyncset.done $0x0  }
0x78: {  	s9 =	rddreg [dreg:$0x1a];
	[sflag:s15] =	ssyncadd.s32 $0xFFFFF000  }
0x79: {  	[spmem:s9] =	stream.linear.scatter [tilespmem:s14], [sflag:$0x5], $0x1000, $0x38;
	[tilespmem:$0x1D700] =	vst v63  }
0x7a: {  	_ =	swait.ge [sflag:s15], $0x1000  }
0x7b: {  	[sflag:s15] =	ssyncset.done $0x0  }
0x7c: {  	s11 =	rddreg [dreg:$0x1b];
	[sflag:s15] =	ssyncadd.s32 $0xFFFFF000  }
0x7d: {  	[spmem:s11] =	stream.linear.scatter [tilespmem:s14], [sflag:$0x5], $0x1000, $0x38;
	[tilespmem:$0x1D700] =	vst v63  }
0x7e: {  	_ =	swait.ge [sflag:s15], $0x1000  }
0x7f: {  	[sflag:s15] =	ssyncset.done $0x0  }
0x80: {  	s12 =	rddreg [dreg:$0x1c];
	[sflag:s15] =	ssyncadd.s32 $0xFFFFF000  }
0x81: {  	[spmem:s12] =	stream.linear.scatter [tilespmem:s14], [sflag:$0x5], $0x1000, $0x38;
	[tilespmem:$0x1D700] =	vst v63  }
0x82: {  	_ =	swait.ge [sflag:s15], $0x1000  }
0x83: {  	[sflag:s15] =	ssyncset.done $0x0  }
0x84: {  	s13 =	rddreg [dreg:$0x1d];
	[sflag:s15] =	ssyncadd.s32 $0xFFFFF000  }
0x85: {  	[spmem:s13] =	stream.linear.scatter [tilespmem:s14], [sflag:$0x5], $0x1000, $0x38;
	[tilespmem:$0x1D700] =	vst v63  }
0x86: {  	_ =	swait.ge [sflag:s15], $0x1000  }
0x87: {  	[sflag:s15] =	ssyncset.done $0x0  }
0x88: {  	s30 =	rddreg [dreg:$0x1e];
	[sflag:s15] =	ssyncadd.s32 $0xFFFFF000  }
0x89: {  	[spmem:s30] =	stream.linear.scatter [tilespmem:s14], [sflag:$0x5], $0x1000, $0x38;
	[tilespmem:$0x1D700] =	vst v63  }
0x8a: {  	_ =	swait.ge [sflag:s15], $0x1000  }
0x8b: {  	[sflag:s15] =	ssyncset.done $0x0  }
0x8c: {  	s31 =	rddreg [dreg:$0x4];
	[sflag:s15] =	ssyncadd.s32 $0xFFFFF000  }
0x8d: {  	[spmem:s31] =	stream.linear.scatter [tilespmem:s14], [sflag:$0x5], $0x700, $0x38;
	[tilespmem:$0x1D700] =	vst v63  }
0x8e: {  	_ =	swait.ge [sflag:s15], $0x700  }
0x8f: {  	[sflag:s15] =	ssyncset.done $0x0  }
0x90: {  	[sflag:s15] =	ssyncadd.s32 $0xFFFFF900  }
0x91: {  	s29 =	simm.s32 $0x0;
	[bflag:$0x0] =	sbarrier.arrive $0xFFFF  }
.LBB2_4:
0x92: {  	s0 =	sshll.u32 s29, $0x4  }
0x93: {  	s30 =	sadd.s32 s10, s0  }
0x94: {  	s0 =	sshll.u32 s30, $0x4  }
0x95: {  	s3 =	sadd.s32 s5, s0  }
0x96: {  	[tilespmem:s16], [sflag:$0x5] =	stream.linear.gather [hbm4b:s3+s28], $0x800, $0x38;
	[tilespmem:$0x1D700] =	vst v63  }
0x97: {  	_ =	swait.ge [sflag:s15], $0x800  }
0x98: {  	[sflag:s15] =	ssyncset.done $0x0  }
0x99: {  	s0 =	sadd.s32 s6, s0;
	[sflag:s15] =	ssyncadd.s32 $0xFFFFF800  }
0x9a: {  	[tilespmem:s17], [sflag:$0x5] =	stream.linear.gather [hbm4b:s0+s28], $0x800, $0x38;
	[tilespmem:$0x1D700] =	vst v63  }
0x9b: {  	_ =	swait.ge [sflag:s15], $0x800  }
0x9c: {  	[sflag:s15] =	ssyncset.done $0x0  }
0x9d: {  	s13 =	sshll.u32 s30, $0x9;
	[sflag:s15] =	ssyncadd.s32 $0xFFFFF800  }
0x9e: {  	[tilespmem:s14], [sflag:$0x1] =	stream.indirect.gather [hbm4b:s4+s18], $0x20, s16, s18, $0xb8;
	[tilespmem:$0x1D700] =	vst v63  }
0x9f: {  	s31 =	simm.s32 $0x0;
	s0 =	sadd.s32 s7, s13  }
0xa0: {  	[tilespmem:s19], [sflag:$0x3] =	stream.linear.gather [hbm4b:s0+s28], $0x1000, $0x38;
	[tilespmem:$0x1D700] =	vst v63  }
.LBB2_5:
0xa1: {  	s3 =	sshllo.u32 s31, $0x1  }
0xa2: {  	s0 =	sshll.u32 s3, $0x9  }
0xa3: {  	s3 =	sadd.s32 s30, s3;
	s0 =	sshrl.u32 s0, $0x2  }
0xa4: {  	s3 =	sshll.u32 s3, $0x9;
	s9 =	sadd.s32 $0x18700, s0  }
0xa5: {  	[tilespmem:s20], [sflag:$0x2] =	stream.indirect.gather [hbm4b:s4+s18], $0x20, s9, s18, $0xb8;
	[tilespmem:$0x1D700] =	vst v63  }
0xa6: {  	s3 =	sadd.s32 s7, s3  }
0xa7: {  	[tilespmem:s21], [sflag:$0x4] =	stream.linear.gather [hbm4b:s3+s2], $0x1000, $0x38;
	[tilespmem:$0x1D700] =	vst v63  }
0xa8: {  	_ =	swait.ge [sflag:s22], $0x1000  }
0xa9: {  	[sflag:s22] =	ssyncset.done $0x0  }
0xaa: {  	[sflag:s22] =	ssyncadd.s32 $0xFFFFF000  }
0xab: {  	_ =	swait.ge [sflag:s23], $0x1000  }
0xac: {  	[sflag:s23] =	ssyncset.done $0x0  }
0xad: {  	s3 =	simm.s32 $0x19800;
	[sflag:s23] =	ssyncadd.s32 $0xFFFFF000  }
0xae: {  	s9 =	simm.s32 $0x1B800;
	v1 =	vld [tilespmem:s3+$0xFFFFFF00]  }
0xaf: {  	v2 =	vld [tilespmem:s9+$0xFFFFFF00];
	_ =	sdelay $0x4  }
0xb0: {  	v1 =	vmul.f32 v2, v1;
	_ =	sdelay $0x1  }
0xb1: {  	[tilespmem:s3+$0xFFFFFF00] =	vst v1;
	v1 =	vld [tilespmem:s3+$0xFFFFFF10]  }
0xb2: {  	v2 =	vld [tilespmem:s9+$0xFFFFFF10];
	_ =	sdelay $0x4  }
0xb3: {  	v1 =	vmul.f32 v2, v1;
	_ =	sdelay $0x1  }
0xb4: {  	[tilespmem:s3+$0xFFFFFF10] =	vst v1;
	v1 =	vld [tilespmem:s3+$0xFFFFFF20]  }
0xb5: {  	v2 =	vld [tilespmem:s9+$0xFFFFFF20];
	_ =	sdelay $0x4  }
0xb6: {  	v1 =	vmul.f32 v2, v1;
	_ =	sdelay $0x1  }
0xb7: {  	[tilespmem:s3+$0xFFFFFF20] =	vst v1;
	v1 =	vld [tilespmem:s3+$0xFFFFFF30]  }
0xb8: {  	v2 =	vld [tilespmem:s9+$0xFFFFFF30];
	_ =	sdelay $0x4  }
0xb9: {  	v1 =	vmul.f32 v2, v1;
	_ =	sdelay $0x1  }
0xba: {  	[tilespmem:s3+$0xFFFFFF30] =	vst v1;
	v1 =	vld [tilespmem:s3+$0xFFFFFF40]  }
0xbb: {  	v2 =	vld [tilespmem:s9+$0xFFFFFF40];
	_ =	sdelay $0x4  }
0xbc: {  	v1 =	vmul.f32 v2, v1;
	_ =	sdelay $0x1  }
0xbd: {  	[tilespmem:s3+$0xFFFFFF40] =	vst v1;
	v1 =	vld [tilespmem:s3+$0xFFFFFF50]  }
0xbe: {  	v2 =	vld [tilespmem:s9+$0xFFFFFF50];
	_ =	sdelay $0x4  }
0xbf: {  	v1 =	vmul.f32 v2, v1;
	_ =	sdelay $0x1  }
0xc0: {  	[tilespmem:s3+$0xFFFFFF50] =	vst v1;
	v1 =	vld [tilespmem:s3+$0xFFFFFF60]  }
0xc1: {  	v2 =	vld [tilespmem:s9+$0xFFFFFF60];
	_ =	sdelay $0x4  }
0xc2: {  	v1 =	vmul.f32 v2, v1;
	_ =	sdelay $0x1  }
0xc3: {  	[tilespmem:s3+$0xFFFFFF60] =	vst v1;
	v1 =	vld [tilespmem:s3+$0xFFFFFF70]  }
0xc4: {  	v2 =	vld [tilespmem:s9+$0xFFFFFF70];
	_ =	sdelay $0x4  }
0xc5: {  	v1 =	vmul.f32 v2, v1;
	_ =	sdelay $0x1  }
0xc6: {  	[tilespmem:s3+$0xFFFFFF70] =	vst v1;
	v1 =	vld [tilespmem:s3+$0xFFFFFF80]  }
0xc7: {  	v2 =	vld [tilespmem:s9+$0xFFFFFF80];
	_ =	sdelay $0x4  }
0xc8: {  	v1 =	vmul.f32 v2, v1;
	_ =	sdelay $0x1  }
0xc9: {  	[tilespmem:s3+$0xFFFFFF80] =	vst v1;
	v1 =	vld [tilespmem:s3+$0xFFFFFF90]  }
0xca: {  	v2 =	vld [tilespmem:s9+$0xFFFFFF90];
	_ =	sdelay $0x4  }
0xcb: {  	v1 =	vmul.f32 v2, v1;
	_ =	sdelay $0x1  }
0xcc: {  	[tilespmem:s3+$0xFFFFFF90] =	vst v1;
	v1 =	vld [tilespmem:s3+$0xFFFFFFA0]  }
0xcd: {  	v2 =	vld [tilespmem:s9+$0xFFFFFFA0];
	_ =	sdelay $0x4  }
0xce: {  	v1 =	vmul.f32 v2, v1;
	_ =	sdelay $0x1  }
0xcf: {  	[tilespmem:s3+$0xFFFFFFA0] =	vst v1;
	v1 =	vld [tilespmem:s3+$0xFFFFFFB0]  }
0xd0: {  	v2 =	vld [tilespmem:s9+$0xFFFFFFB0];
	_ =	sdelay $0x4  }
0xd1: {  	v1 =	vmul.f32 v2, v1;
	_ =	sdelay $0x1  }
0xd2: {  	[tilespmem:s3+$0xFFFFFFB0] =	vst v1;
	v1 =	vld [tilespmem:s3+$0xFFFFFFC0]  }
0xd3: {  	v2 =	vld [tilespmem:s9+$0xFFFFFFC0];
	_ =	sdelay $0x4  }
0xd4: {  	v1 =	vmul.f32 v2, v1;
	_ =	sdelay $0x1  }
0xd5: {  	[tilespmem:s3+$0xFFFFFFC0] =	vst v1;
	v1 =	vld [tilespmem:s3+$0xFFFFFFD0]  }
0xd6: {  	v2 =	vld [tilespmem:s9+$0xFFFFFFD0];
	_ =	sdelay $0x4  }
0xd7: {  	v1 =	vmul.f32 v2, v1;
	_ =	sdelay $0x1  }
0xd8: {  	[tilespmem:s3+$0xFFFFFFD0] =	vst v1;
	v1 =	vld [tilespmem:s3+$0xFFFFFFE0]  }
0xd9: {  	v2 =	vld [tilespmem:s9+$0xFFFFFFE0];
	_ =	sdelay $0x4  }
0xda: {  	v1 =	vmul.f32 v2, v1;
	_ =	sdelay $0x1  }
0xdb: {  	[tilespmem:s3+$0xFFFFFFE0] =	vst v1;
	v1 =	vld [tilespmem:s3+$0xFFFFFFF0]  }
0xdc: {  	v2 =	vld [tilespmem:s9+$0xFFFFFFF0];
	_ =	sdelay $0x4  }
0xdd: {  	v1 =	vmul.f32 v2, v1;
	_ =	sdelay $0x1  }
0xde: {  	[tilespmem:s3+$0xFFFFFFF0] =	vst v1;
	v1 =	vld [tilespmem:s3+$0x0]  }
0xdf: {  	v2 =	vld [tilespmem:s9+$0x0];
	_ =	sdelay $0x4  }
0xe0: {  	v1 =	vmul.f32 v2, v1;
	_ =	sdelay $0x1  }
0xe1: {  	[tilespmem:s3+$0x0] =	vst v1;
	v1 =	vld [tilespmem:s3+$0x10]  }
0xe2: {  	v2 =	vld [tilespmem:s9+$0x10];
	_ =	sdelay $0x4  }
0xe3: {  	v1 =	vmul.f32 v2, v1;
	_ =	sdelay $0x1  }
0xe4: {  	[tilespmem:s3+$0x10] =	vst v1;
	v1 =	vld [tilespmem:s3+$0x20]  }
0xe5: {  	v2 =	vld [tilespmem:s9+$0x20];
	_ =	sdelay $0x4  }
0xe6: {  	v1 =	vmul.f32 v2, v1;
	_ =	sdelay $0x1  }
0xe7: {  	[tilespmem:s3+$0x20] =	vst v1;
	v1 =	vld [tilespmem:s3+$0x30]  }
0xe8: {  	v2 =	vld [tilespmem:s9+$0x30];
	_ =	sdelay $0x4  }
0xe9: {  	v1 =	vmul.f32 v2, v1;
	_ =	sdelay $0x1  }
0xea: {  	[tilespmem:s3+$0x30] =	vst v1;
	v1 =	vld [tilespmem:s3+$0x40]  }
0xeb: {  	v2 =	vld [tilespmem:s9+$0x40];
	_ =	sdelay $0x4  }
0xec: {  	v1 =	vmul.f32 v2, v1;
	_ =	sdelay $0x1  }
0xed: {  	[tilespmem:s3+$0x40] =	vst v1;
	v1 =	vld [tilespmem:s3+$0x50]  }
0xee: {  	v2 =	vld [tilespmem:s9+$0x50];
	_ =	sdelay $0x4  }
0xef: {  	v1 =	vmul.f32 v2, v1;
	_ =	sdelay $0x1  }
0xf0: {  	[tilespmem:s3+$0x50] =	vst v1;
	v1 =	vld [tilespmem:s3+$0x60]  }
0xf1: {  	v2 =	vld [tilespmem:s9+$0x60];
	_ =	sdelay $0x4  }
0xf2: {  	v1 =	vmul.f32 v2, v1;
	_ =	sdelay $0x1  }
0xf3: {  	[tilespmem:s3+$0x60] =	vst v1;
	v1 =	vld [tilespmem:s3+$0x70]  }
0xf4: {  	v2 =	vld [tilespmem:s9+$0x70];
	_ =	sdelay $0x4  }
0xf5: {  	v1 =	vmul.f32 v2, v1;
	_ =	sdelay $0x1  }
0xf6: {  	[tilespmem:s3+$0x70] =	vst v1;
	v1 =	vld [tilespmem:s3+$0x80]  }
0xf7: {  	v2 =	vld [tilespmem:s9+$0x80];
	_ =	sdelay $0x4  }
0xf8: {  	v1 =	vmul.f32 v2, v1;
	_ =	sdelay $0x1  }
0xf9: {  	[tilespmem:s3+$0x80] =	vst v1;
	v1 =	vld [tilespmem:s3+$0x90]  }
0xfa: {  	v2 =	vld [tilespmem:s9+$0x90];
	_ =	sdelay $0x4  }
0xfb: {  	v1 =	vmul.f32 v2, v1;
	_ =	sdelay $0x1  }
0xfc: {  	[tilespmem:s3+$0x90] =	vst v1;
	v1 =	vld [tilespmem:s3+$0xA0]  }
0xfd: {  	v2 =	vld [tilespmem:s9+$0xA0];
	_ =	sdelay $0x4  }
0xfe: {  	v1 =	vmul.f32 v2, v1;
	_ =	sdelay $0x1  }
0xff: {  	[tilespmem:s3+$0xA0] =	vst v1;
	v1 =	vld [tilespmem:s3+$0xB0]  }
0x100: {  	v2 =	vld [tilespmem:s9+$0xB0];
	_ =	sdelay $0x4  }
0x101: {  	v1 =	vmul.f32 v2, v1;
	_ =	sdelay $0x1  }
0x102: {  	[tilespmem:s3+$0xB0] =	vst v1;
	v1 =	vld [tilespmem:s3+$0xC0]  }
0x103: {  	v2 =	vld [tilespmem:s9+$0xC0];
	_ =	sdelay $0x4  }
0x104: {  	v1 =	vmul.f32 v2, v1;
	_ =	sdelay $0x1  }
0x105: {  	[tilespmem:s3+$0xC0] =	vst v1;
	v1 =	vld [tilespmem:s3+$0xD0]  }
0x106: {  	v2 =	vld [tilespmem:s9+$0xD0];
	_ =	sdelay $0x4  }
0x107: {  	v1 =	vmul.f32 v2, v1;
	_ =	sdelay $0x1  }
0x108: {  	[tilespmem:s3+$0xD0] =	vst v1;
	v1 =	vld [tilespmem:s3+$0xE0]  }
0x109: {  	v2 =	vld [tilespmem:s9+$0xE0];
	_ =	sdelay $0x4  }
0x10a: {  	v1 =	vmul.f32 v2, v1;
	_ =	sdelay $0x1  }
0x10b: {  	[tilespmem:s3+$0xE0] =	vst v1;
	v1 =	vld [tilespmem:s3+$0xF0]  }
0x10c: {  	v2 =	vld [tilespmem:s9+$0xF0];
	_ =	sdelay $0x4  }
0x10d: {  	v1 =	vmul.f32 v2, v1  }
0x10e: {  	s11 =	sshll.u32 s31, $0x1;
	s12 =	simm.s32 $0x0;
	s13 =	simm.s32 $0x19A00  }
.LBB2_6:
0x10f: {  	v2 =	vld [tilespmem:s13+$0xFFFFFF00];
	[tilespmem:s3+$0xF0] =	vst v1;
	s9 =	sadd.s32 $0x200, s9;
	s3 =	smov.u32 s13  }
0x110: {  	s12 =	sadd.s32 $0x4, s12;
	v1 =	vld [tilespmem:s9+$0xFFFFFF00]  }
0x111: {  	p0 =	slt.u32 s12, $0x1C;
	_ =	sdelay $0x3  }
0x112: {  	v1 =	vmul.f32 v1, v2;
	_ =	sdelay $0x1  }
0x113: {  	[tilespmem:s13+$0xFFFFFF00] =	vst v1;
	v1 =	vld [tilespmem:s13+$0xFFFFFF10]  }
0x114: {  	v2 =	vld [tilespmem:s9+$0xFFFFFF10];
	_ =	sdelay $0x4  }
0x115: {  	v1 =	vmul.f32 v2, v1;
	_ =	sdelay $0x1  }
0x116: {  	[tilespmem:s13+$0xFFFFFF10] =	vst v1;
	v1 =	vld [tilespmem:s13+$0xFFFFFF20]  }
0x117: {  	v2 =	vld [tilespmem:s9+$0xFFFFFF20];
	_ =	sdelay $0x4  }
0x118: {  	v1 =	vmul.f32 v2, v1;
	_ =	sdelay $0x1  }
0x119: {  	[tilespmem:s13+$0xFFFFFF20] =	vst v1;
	v1 =	vld [tilespmem:s13+$0xFFFFFF30]  }
0x11a: {  	v2 =	vld [tilespmem:s9+$0xFFFFFF30];
	_ =	sdelay $0x4  }
0x11b: {  	v1 =	vmul.f32 v2, v1;
	_ =	sdelay $0x1  }
0x11c: {  	[tilespmem:s13+$0xFFFFFF30] =	vst v1;
	v1 =	vld [tilespmem:s13+$0xFFFFFF40]  }
0x11d: {  	v2 =	vld [tilespmem:s9+$0xFFFFFF40];
	_ =	sdelay $0x4  }
0x11e: {  	v1 =	vmul.f32 v2, v1;
	_ =	sdelay $0x1  }
0x11f: {  	[tilespmem:s13+$0xFFFFFF40] =	vst v1;
	v1 =	vld [tilespmem:s13+$0xFFFFFF50]  }
0x120: {  	v2 =	vld [tilespmem:s9+$0xFFFFFF50];
	_ =	sdelay $0x4  }
0x121: {  	v1 =	vmul.f32 v2, v1;
	_ =	sdelay $0x1  }
0x122: {  	[tilespmem:s13+$0xFFFFFF50] =	vst v1;
	v1 =	vld [tilespmem:s13+$0xFFFFFF60]  }
0x123: {  	v2 =	vld [tilespmem:s9+$0xFFFFFF60];
	_ =	sdelay $0x4  }
0x124: {  	v1 =	vmul.f32 v2, v1;
	_ =	sdelay $0x1  }
0x125: {  	[tilespmem:s13+$0xFFFFFF60] =	vst v1;
	v1 =	vld [tilespmem:s13+$0xFFFFFF70]  }
0x126: {  	v2 =	vld [tilespmem:s9+$0xFFFFFF70];
	_ =	sdelay $0x4  }
0x127: {  	v1 =	vmul.f32 v2, v1;
	_ =	sdelay $0x1  }
0x128: {  	[tilespmem:s13+$0xFFFFFF70] =	vst v1;
	v1 =	vld [tilespmem:s13+$0xFFFFFF80]  }
0x129: {  	v2 =	vld [tilespmem:s9+$0xFFFFFF80];
	_ =	sdelay $0x4  }
0x12a: {  	v1 =	vmul.f32 v2, v1;
	_ =	sdelay $0x1  }
0x12b: {  	[tilespmem:s13+$0xFFFFFF80] =	vst v1;
	v1 =	vld [tilespmem:s13+$0xFFFFFF90]  }
0x12c: {  	v2 =	vld [tilespmem:s9+$0xFFFFFF90];
	_ =	sdelay $0x4  }
0x12d: {  	v1 =	vmul.f32 v2, v1;
	_ =	sdelay $0x1  }
0x12e: {  	[tilespmem:s13+$0xFFFFFF90] =	vst v1;
	v1 =	vld [tilespmem:s13+$0xFFFFFFA0]  }
0x12f: {  	v2 =	vld [tilespmem:s9+$0xFFFFFFA0];
	_ =	sdelay $0x4  }
0x130: {  	v1 =	vmul.f32 v2, v1;
	_ =	sdelay $0x1  }
0x131: {  	[tilespmem:s13+$0xFFFFFFA0] =	vst v1;
	v1 =	vld [tilespmem:s13+$0xFFFFFFB0]  }
0x132: {  	v2 =	vld [tilespmem:s9+$0xFFFFFFB0];
	_ =	sdelay $0x4  }
0x133: {  	v1 =	vmul.f32 v2, v1;
	_ =	sdelay $0x1  }
0x134: {  	[tilespmem:s13+$0xFFFFFFB0] =	vst v1;
	v1 =	vld [tilespmem:s13+$0xFFFFFFC0]  }
0x135: {  	v2 =	vld [tilespmem:s9+$0xFFFFFFC0];
	_ =	sdelay $0x4  }
0x136: {  	v1 =	vmul.f32 v2, v1;
	_ =	sdelay $0x1  }
0x137: {  	[tilespmem:s13+$0xFFFFFFC0] =	vst v1;
	v1 =	vld [tilespmem:s13+$0xFFFFFFD0]  }
0x138: {  	v2 =	vld [tilespmem:s9+$0xFFFFFFD0];
	_ =	sdelay $0x4  }
0x139: {  	v1 =	vmul.f32 v2, v1;
	_ =	sdelay $0x1  }
0x13a: {  	[tilespmem:s13+$0xFFFFFFD0] =	vst v1;
	v1 =	vld [tilespmem:s13+$0xFFFFFFE0]  }
0x13b: {  	v2 =	vld [tilespmem:s9+$0xFFFFFFE0];
	_ =	sdelay $0x4  }
0x13c: {  	v1 =	vmul.f32 v2, v1;
	_ =	sdelay $0x1  }
0x13d: {  	[tilespmem:s13+$0xFFFFFFE0] =	vst v1;
	v1 =	vld [tilespmem:s13+$0xFFFFFFF0]  }
0x13e: {  	v2 =	vld [tilespmem:s9+$0xFFFFFFF0];
	_ =	sdelay $0x4  }
0x13f: {  	v1 =	vmul.f32 v2, v1;
	_ =	sdelay $0x1  }
0x140: {  	[tilespmem:s13+$0xFFFFFFF0] =	vst v1;
	v1 =	vld [tilespmem:s13+$0x0]  }
0x141: {  	v2 =	vld [tilespmem:s9+$0x0];
	_ =	sdelay $0x4  }
0x142: {  	v1 =	vmul.f32 v2, v1;
	_ =	sdelay $0x1  }
0x143: {  	[tilespmem:s13+$0x0] =	vst v1;
	v1 =	vld [tilespmem:s13+$0x10]  }
0x144: {  	v2 =	vld [tilespmem:s9+$0x10];
	_ =	sdelay $0x4  }
0x145: {  	v1 =	vmul.f32 v2, v1;
	_ =	sdelay $0x1  }
0x146: {  	[tilespmem:s13+$0x10] =	vst v1;
	v1 =	vld [tilespmem:s13+$0x20]  }
0x147: {  	v2 =	vld [tilespmem:s9+$0x20];
	_ =	sdelay $0x4  }
0x148: {  	v1 =	vmul.f32 v2, v1;
	_ =	sdelay $0x1  }
0x149: {  	[tilespmem:s13+$0x20] =	vst v1;
	v1 =	vld [tilespmem:s13+$0x30]  }
0x14a: {  	v2 =	vld [tilespmem:s9+$0x30];
	_ =	sdelay $0x4  }
0x14b: {  	v1 =	vmul.f32 v2, v1;
	_ =	sdelay $0x1  }
0x14c: {  	[tilespmem:s13+$0x30] =	vst v1;
	v1 =	vld [tilespmem:s13+$0x40]  }
0x14d: {  	v2 =	vld [tilespmem:s9+$0x40];
	_ =	sdelay $0x4  }
0x14e: {  	v1 =	vmul.f32 v2, v1;
	_ =	sdelay $0x1  }
0x14f: {  	[tilespmem:s13+$0x40] =	vst v1;
	v1 =	vld [tilespmem:s13+$0x50]  }
0x150: {  	v2 =	vld [tilespmem:s9+$0x50];
	_ =	sdelay $0x4  }
0x151: {  	v1 =	vmul.f32 v2, v1;
	_ =	sdelay $0x1  }
0x152: {  	[tilespmem:s13+$0x50] =	vst v1;
	v1 =	vld [tilespmem:s13+$0x60]  }
0x153: {  	v2 =	vld [tilespmem:s9+$0x60];
	_ =	sdelay $0x4  }
0x154: {  	v1 =	vmul.f32 v2, v1;
	_ =	sdelay $0x1  }
0x155: {  	[tilespmem:s13+$0x60] =	vst v1;
	v1 =	vld [tilespmem:s13+$0x70]  }
0x156: {  	v2 =	vld [tilespmem:s9+$0x70];
	_ =	sdelay $0x4  }
0x157: {  	v1 =	vmul.f32 v2, v1;
	_ =	sdelay $0x1  }
0x158: {  	[tilespmem:s13+$0x70] =	vst v1;
	v1 =	vld [tilespmem:s13+$0x80]  }
0x159: {  	v2 =	vld [tilespmem:s9+$0x80];
	_ =	sdelay $0x4  }
0x15a: {  	v1 =	vmul.f32 v2, v1;
	_ =	sdelay $0x1  }
0x15b: {  	[tilespmem:s13+$0x80] =	vst v1;
	v1 =	vld [tilespmem:s13+$0x90]  }
0x15c: {  	v2 =	vld [tilespmem:s9+$0x90];
	_ =	sdelay $0x4  }
0x15d: {  	v1 =	vmul.f32 v2, v1;
	_ =	sdelay $0x1  }
0x15e: {  	[tilespmem:s13+$0x90] =	vst v1;
	v1 =	vld [tilespmem:s13+$0xA0]  }
0x15f: {  	v2 =	vld [tilespmem:s9+$0xA0];
	_ =	sdelay $0x4  }
0x160: {  	v1 =	vmul.f32 v2, v1;
	_ =	sdelay $0x1  }
0x161: {  	[tilespmem:s13+$0xA0] =	vst v1;
	v1 =	vld [tilespmem:s13+$0xB0]  }
0x162: {  	v2 =	vld [tilespmem:s9+$0xB0];
	_ =	sdelay $0x4  }
0x163: {  	v1 =	vmul.f32 v2, v1;
	_ =	sdelay $0x1  }
0x164: {  	[tilespmem:s13+$0xB0] =	vst v1;
	v1 =	vld [tilespmem:s13+$0xC0]  }
0x165: {  	v2 =	vld [tilespmem:s9+$0xC0];
	_ =	sdelay $0x4  }
0x166: {  	v1 =	vmul.f32 v2, v1;
	_ =	sdelay $0x1  }
0x167: {  	[tilespmem:s13+$0xC0] =	vst v1;
	v1 =	vld [tilespmem:s13+$0xD0]  }
0x168: {  	v2 =	vld [tilespmem:s9+$0xD0];
	_ =	sdelay $0x4  }
0x169: {  	v1 =	vmul.f32 v2, v1;
	_ =	sdelay $0x1  }
0x16a: {  	[tilespmem:s13+$0xD0] =	vst v1;
	v1 =	vld [tilespmem:s13+$0xE0]  }
0x16b: {  	v2 =	vld [tilespmem:s9+$0xE0];
	_ =	sdelay $0x4  }
0x16c: {  	v1 =	vmul.f32 v2, v1;
	_ =	sdelay $0x1  }
0x16d: {  	[tilespmem:s13+$0xE0] =	vst v1;
	v1 =	vld [tilespmem:s13+$0xF0]  }
0x16e: {  	v2 =	vld [tilespmem:s9+$0xF0];
	_ =	sdelay $0x1  }
.Ltmp1:
0x16f: {  	(pc) =	sbr.rel @p0 .LBB2_6-.Ltmp1, $3  }
0x170: {  	_ =	sdelay $0x1  }
0x171: {  	v1 =	vmul.f32 v2, v1  }
0x172: {  	s13 =	sadd.s32 $0x200, s13  }
0x173: {  	s9 =	sshll.u32 s31, $0x8  }
0x174: {  	p0 =	seq.s32 s31, $0x7;
	s9 =	sand.u32 $0x3FFFFF00, s9  }
0x175: {  	[tilespmem:s3+$0xF0] =	vst v1;
	s3 =	sadd.s32 @!p0 $0x2, s11;
	s11 =	simm.s32 @!p0 $0x80;
	s13 =	sadd.s32 $0x18F00, s9  }
0x176: {  	[spmem:s1] =	stream.indirect.scatter.add.f32 [tilespmem:s14], [sflag:$0x5], $0x20, s13, s18, $0xb8;
	[tilespmem:$0x1D700] =	vst v63  }
0x177: {  	s12 =	simm.s32 @!p0 $0x19700;
	s9 =	sshll.u32 @!p0 s3, $0x7;
	_ =	swait.ge [sflag:s15], $0x1000  }
0x178: {  	s3 =	sadd.s32 @!p0 s30, s3;
	s9 =	sand.u32 @!p0 $0x3FFFFF80, s9;
	[sflag:s15] =	ssyncset.done $0x0  }
0x179: {  	s3 =	sshll.u32 @!p0 s3, $0x9;
	s9 =	sadd.s32 @!p0 $0x18700, s9;
	[sflag:s15] =	ssyncadd.s32 $0xFFFFF000  }
0x17a: {  	[tilespmem:s12], [sflag:$0x1] =	stream.indirect.gather @!p0 [hbm4b:s4+s11], $0x20, s9, s11, $0xb8;
	[tilespmem:$0x1D700] =	vst v63  }
0x17b: {  	s3 =	sadd.s32 @!p0 s7, s3;
	s9 =	simm.s32 @!p0 $0x0;
	s11 =	simm.s32 @!p0 $0x1B700  }
0x17c: {  	[tilespmem:s11], [sflag:$0x3] =	stream.linear.gather @!p0 [hbm4b:s3+s9], $0x1000, $0x38;
	[tilespmem:$0x1D700] =	vst v63  }
0x17d: {  	_ =	swait.ge [sflag:s24], $0x1000  }
0x17e: {  	[sflag:s24] =	ssyncset.done $0x0  }
0x17f: {  	[sflag:s24] =	ssyncadd.s32 $0xFFFFF000  }
0x180: {  	_ =	swait.ge [sflag:s25], $0x1000  }
0x181: {  	[sflag:s25] =	ssyncset.done $0x0  }
0x182: {  	s3 =	simm.s32 $0x1A800;
	[sflag:s25] =	ssyncadd.s32 $0xFFFFF000  }
0x183: {  	s9 =	simm.s32 $0x1C800;
	v1 =	vld [tilespmem:s3+$0xFFFFFF00]  }
0x184: {  	v2 =	vld [tilespmem:s9+$0xFFFFFF00];
	_ =	sdelay $0x4  }
0x185: {  	v1 =	vmul.f32 v2, v1;
	_ =	sdelay $0x1  }
0x186: {  	[tilespmem:s3+$0xFFFFFF00] =	vst v1;
	v1 =	vld [tilespmem:s3+$0xFFFFFF10]  }
0x187: {  	v2 =	vld [tilespmem:s9+$0xFFFFFF10];
	_ =	sdelay $0x4  }
0x188: {  	v1 =	vmul.f32 v2, v1;
	_ =	sdelay $0x1  }
0x189: {  	[tilespmem:s3+$0xFFFFFF10] =	vst v1;
	v1 =	vld [tilespmem:s3+$0xFFFFFF20]  }
0x18a: {  	v2 =	vld [tilespmem:s9+$0xFFFFFF20];
	_ =	sdelay $0x4  }
0x18b: {  	v1 =	vmul.f32 v2, v1;
	_ =	sdelay $0x1  }
0x18c: {  	[tilespmem:s3+$0xFFFFFF20] =	vst v1;
	v1 =	vld [tilespmem:s3+$0xFFFFFF30]  }
0x18d: {  	v2 =	vld [tilespmem:s9+$0xFFFFFF30];
	_ =	sdelay $0x4  }
0x18e: {  	v1 =	vmul.f32 v2, v1;
	_ =	sdelay $0x1  }
0x18f: {  	[tilespmem:s3+$0xFFFFFF30] =	vst v1;
	v1 =	vld [tilespmem:s3+$0xFFFFFF40]  }
0x190: {  	v2 =	vld [tilespmem:s9+$0xFFFFFF40];
	_ =	sdelay $0x4  }
0x191: {  	v1 =	vmul.f32 v2, v1;
	_ =	sdelay $0x1  }
0x192: {  	[tilespmem:s3+$0xFFFFFF40] =	vst v1;
	v1 =	vld [tilespmem:s3+$0xFFFFFF50]  }
0x193: {  	v2 =	vld [tilespmem:s9+$0xFFFFFF50];
	_ =	sdelay $0x4  }
0x194: {  	v1 =	vmul.f32 v2, v1;
	_ =	sdelay $0x1  }
0x195: {  	[tilespmem:s3+$0xFFFFFF50] =	vst v1;
	v1 =	vld [tilespmem:s3+$0xFFFFFF60]  }
0x196: {  	v2 =	vld [tilespmem:s9+$0xFFFFFF60];
	_ =	sdelay $0x4  }
0x197: {  	v1 =	vmul.f32 v2, v1;
	_ =	sdelay $0x1  }
0x198: {  	[tilespmem:s3+$0xFFFFFF60] =	vst v1;
	v1 =	vld [tilespmem:s3+$0xFFFFFF70]  }
0x199: {  	v2 =	vld [tilespmem:s9+$0xFFFFFF70];
	_ =	sdelay $0x4  }
0x19a: {  	v1 =	vmul.f32 v2, v1;
	_ =	sdelay $0x1  }
0x19b: {  	[tilespmem:s3+$0xFFFFFF70] =	vst v1;
	v1 =	vld [tilespmem:s3+$0xFFFFFF80]  }
0x19c: {  	v2 =	vld [tilespmem:s9+$0xFFFFFF80];
	_ =	sdelay $0x4  }
0x19d: {  	v1 =	vmul.f32 v2, v1;
	_ =	sdelay $0x1  }
0x19e: {  	[tilespmem:s3+$0xFFFFFF80] =	vst v1;
	v1 =	vld [tilespmem:s3+$0xFFFFFF90]  }
0x19f: {  	v2 =	vld [tilespmem:s9+$0xFFFFFF90];
	_ =	sdelay $0x4  }
0x1a0: {  	v1 =	vmul.f32 v2, v1;
	_ =	sdelay $0x1  }
0x1a1: {  	[tilespmem:s3+$0xFFFFFF90] =	vst v1;
	v1 =	vld [tilespmem:s3+$0xFFFFFFA0]  }
0x1a2: {  	v2 =	vld [tilespmem:s9+$0xFFFFFFA0];
	_ =	sdelay $0x4  }
0x1a3: {  	v1 =	vmul.f32 v2, v1;
	_ =	sdelay $0x1  }
0x1a4: {  	[tilespmem:s3+$0xFFFFFFA0] =	vst v1;
	v1 =	vld [tilespmem:s3+$0xFFFFFFB0]  }
0x1a5: {  	v2 =	vld [tilespmem:s9+$0xFFFFFFB0];
	_ =	sdelay $0x4  }
0x1a6: {  	v1 =	vmul.f32 v2, v1;
	_ =	sdelay $0x1  }
0x1a7: {  	[tilespmem:s3+$0xFFFFFFB0] =	vst v1;
	v1 =	vld [tilespmem:s3+$0xFFFFFFC0]  }
0x1a8: {  	v2 =	vld [tilespmem:s9+$0xFFFFFFC0];
	_ =	sdelay $0x4  }
0x1a9: {  	v1 =	vmul.f32 v2, v1;
	_ =	sdelay $0x1  }
0x1aa: {  	[tilespmem:s3+$0xFFFFFFC0] =	vst v1;
	v1 =	vld [tilespmem:s3+$0xFFFFFFD0]  }
0x1ab: {  	v2 =	vld [tilespmem:s9+$0xFFFFFFD0];
	_ =	sdelay $0x4  }
0x1ac: {  	v1 =	vmul.f32 v2, v1;
	_ =	sdelay $0x1  }
0x1ad: {  	[tilespmem:s3+$0xFFFFFFD0] =	vst v1;
	v1 =	vld [tilespmem:s3+$0xFFFFFFE0]  }
0x1ae: {  	v2 =	vld [tilespmem:s9+$0xFFFFFFE0];
	_ =	sdelay $0x4  }
0x1af: {  	v1 =	vmul.f32 v2, v1;
	_ =	sdelay $0x1  }
0x1b0: {  	[tilespmem:s3+$0xFFFFFFE0] =	vst v1;
	v1 =	vld [tilespmem:s3+$0xFFFFFFF0]  }
0x1b1: {  	v2 =	vld [tilespmem:s9+$0xFFFFFFF0];
	_ =	sdelay $0x4  }
0x1b2: {  	v1 =	vmul.f32 v2, v1;
	_ =	sdelay $0x1  }
0x1b3: {  	[tilespmem:s3+$0xFFFFFFF0] =	vst v1;
	v1 =	vld [tilespmem:s3+$0x0]  }
0x1b4: {  	v2 =	vld [tilespmem:s9+$0x0];
	_ =	sdelay $0x4  }
0x1b5: {  	v1 =	vmul.f32 v2, v1;
	_ =	sdelay $0x1  }
0x1b6: {  	[tilespmem:s3+$0x0] =	vst v1;
	v1 =	vld [tilespmem:s3+$0x10]  }
0x1b7: {  	v2 =	vld [tilespmem:s9+$0x10];
	_ =	sdelay $0x4  }
0x1b8: {  	v1 =	vmul.f32 v2, v1;
	_ =	sdelay $0x1  }
0x1b9: {  	[tilespmem:s3+$0x10] =	vst v1;
	v1 =	vld [tilespmem:s3+$0x20]  }
0x1ba: {  	v2 =	vld [tilespmem:s9+$0x20];
	_ =	sdelay $0x4  }
0x1bb: {  	v1 =	vmul.f32 v2, v1;
	_ =	sdelay $0x1  }
0x1bc: {  	[tilespmem:s3+$0x20] =	vst v1;
	v1 =	vld [tilespmem:s3+$0x30]  }
0x1bd: {  	v2 =	vld [tilespmem:s9+$0x30];
	_ =	sdelay $0x4  }
0x1be: {  	v1 =	vmul.f32 v2, v1;
	_ =	sdelay $0x1  }
0x1bf: {  	[tilespmem:s3+$0x30] =	vst v1;
	v1 =	vld [tilespmem:s3+$0x40]  }
0x1c0: {  	v2 =	vld [tilespmem:s9+$0x40];
	_ =	sdelay $0x4  }
0x1c1: {  	v1 =	vmul.f32 v2, v1;
	_ =	sdelay $0x1  }
0x1c2: {  	[tilespmem:s3+$0x40] =	vst v1;
	v1 =	vld [tilespmem:s3+$0x50]  }
0x1c3: {  	v2 =	vld [tilespmem:s9+$0x50];
	_ =	sdelay $0x4  }
0x1c4: {  	v1 =	vmul.f32 v2, v1;
	_ =	sdelay $0x1  }
0x1c5: {  	[tilespmem:s3+$0x50] =	vst v1;
	v1 =	vld [tilespmem:s3+$0x60]  }
0x1c6: {  	v2 =	vld [tilespmem:s9+$0x60];
	_ =	sdelay $0x4  }
0x1c7: {  	v1 =	vmul.f32 v2, v1;
	_ =	sdelay $0x1  }
0x1c8: {  	[tilespmem:s3+$0x60] =	vst v1;
	v1 =	vld [tilespmem:s3+$0x70]  }
0x1c9: {  	v2 =	vld [tilespmem:s9+$0x70];
	_ =	sdelay $0x4  }
0x1ca: {  	v1 =	vmul.f32 v2, v1;
	_ =	sdelay $0x1  }
0x1cb: {  	[tilespmem:s3+$0x70] =	vst v1;
	v1 =	vld [tilespmem:s3+$0x80]  }
0x1cc: {  	v2 =	vld [tilespmem:s9+$0x80];
	_ =	sdelay $0x4  }
0x1cd: {  	v1 =	vmul.f32 v2, v1;
	_ =	sdelay $0x1  }
0x1ce: {  	[tilespmem:s3+$0x80] =	vst v1;
	v1 =	vld [tilespmem:s3+$0x90]  }
0x1cf: {  	v2 =	vld [tilespmem:s9+$0x90];
	_ =	sdelay $0x4  }
0x1d0: {  	v1 =	vmul.f32 v2, v1;
	_ =	sdelay $0x1  }
0x1d1: {  	[tilespmem:s3+$0x90] =	vst v1;
	v1 =	vld [tilespmem:s3+$0xA0]  }
0x1d2: {  	v2 =	vld [tilespmem:s9+$0xA0];
	_ =	sdelay $0x4  }
0x1d3: {  	v1 =	vmul.f32 v2, v1;
	_ =	sdelay $0x1  }
0x1d4: {  	[tilespmem:s3+$0xA0] =	vst v1;
	v1 =	vld [tilespmem:s3+$0xB0]  }
0x1d5: {  	v2 =	vld [tilespmem:s9+$0xB0];
	_ =	sdelay $0x4  }
0x1d6: {  	v1 =	vmul.f32 v2, v1;
	_ =	sdelay $0x1  }
0x1d7: {  	[tilespmem:s3+$0xB0] =	vst v1;
	v1 =	vld [tilespmem:s3+$0xC0]  }
0x1d8: {  	v2 =	vld [tilespmem:s9+$0xC0];
	_ =	sdelay $0x4  }
0x1d9: {  	v1 =	vmul.f32 v2, v1;
	_ =	sdelay $0x1  }
0x1da: {  	[tilespmem:s3+$0xC0] =	vst v1;
	v1 =	vld [tilespmem:s3+$0xD0]  }
0x1db: {  	v2 =	vld [tilespmem:s9+$0xD0];
	_ =	sdelay $0x4  }
0x1dc: {  	v1 =	vmul.f32 v2, v1;
	_ =	sdelay $0x1  }
0x1dd: {  	[tilespmem:s3+$0xD0] =	vst v1;
	v1 =	vld [tilespmem:s3+$0xE0]  }
0x1de: {  	v2 =	vld [tilespmem:s9+$0xE0];
	_ =	sdelay $0x4  }
0x1df: {  	v1 =	vmul.f32 v2, v1;
	_ =	sdelay $0x1  }
0x1e0: {  	[tilespmem:s3+$0xE0] =	vst v1;
	v1 =	vld [tilespmem:s3+$0xF0]  }
0x1e1: {  	v2 =	vld [tilespmem:s9+$0xF0];
	_ =	sdelay $0x4  }
0x1e2: {  	v1 =	vmul.f32 v2, v1  }
0x1e3: {  	s12 =	simm.s32 $0x1AA00;
	s11 =	simm.s32 $0x0  }
.LBB2_8:
0x1e4: {  	v2 =	vld [tilespmem:s12+$0xFFFFFF00];
	[tilespmem:s3+$0xF0] =	vst v1;
	s9 =	sadd.s32 $0x200, s9;
	s3 =	smov.u32 s12  }
0x1e5: {  	s11 =	sadd.s32 $0x4, s11;
	v1 =	vld [tilespmem:s9+$0xFFFFFF00]  }
0x1e6: {  	p0 =	slt.u32 s11, $0x1C;
	_ =	sdelay $0x3  }
0x1e7: {  	v1 =	vmul.f32 v1, v2;
	_ =	sdelay $0x1  }
0x1e8: {  	[tilespmem:s12+$0xFFFFFF00] =	vst v1;
	v1 =	vld [tilespmem:s12+$0xFFFFFF10]  }
0x1e9: {  	v2 =	vld [tilespmem:s9+$0xFFFFFF10];
	_ =	sdelay $0x4  }
0x1ea: {  	v1 =	vmul.f32 v2, v1;
	_ =	sdelay $0x1  }
0x1eb: {  	[tilespmem:s12+$0xFFFFFF10] =	vst v1;
	v1 =	vld [tilespmem:s12+$0xFFFFFF20]  }
0x1ec: {  	v2 =	vld [tilespmem:s9+$0xFFFFFF20];
	_ =	sdelay $0x4  }
0x1ed: {  	v1 =	vmul.f32 v2, v1;
	_ =	sdelay $0x1  }
0x1ee: {  	[tilespmem:s12+$0xFFFFFF20] =	vst v1;
	v1 =	vld [tilespmem:s12+$0xFFFFFF30]  }
0x1ef: {  	v2 =	vld [tilespmem:s9+$0xFFFFFF30];
	_ =	sdelay $0x4  }
0x1f0: {  	v1 =	vmul.f32 v2, v1;
	_ =	sdelay $0x1  }
0x1f1: {  	[tilespmem:s12+$0xFFFFFF30] =	vst v1;
	v1 =	vld [tilespmem:s12+$0xFFFFFF40]  }
0x1f2: {  	v2 =	vld [tilespmem:s9+$0xFFFFFF40];
	_ =	sdelay $0x4  }
0x1f3: {  	v1 =	vmul.f32 v2, v1;
	_ =	sdelay $0x1  }
0x1f4: {  	[tilespmem:s12+$0xFFFFFF40] =	vst v1;
	v1 =	vld [tilespmem:s12+$0xFFFFFF50]  }
0x1f5: {  	v2 =	vld [tilespmem:s9+$0xFFFFFF50];
	_ =	sdelay $0x4  }
0x1f6: {  	v1 =	vmul.f32 v2, v1;
	_ =	sdelay $0x1  }
0x1f7: {  	[tilespmem:s12+$0xFFFFFF50] =	vst v1;
	v1 =	vld [tilespmem:s12+$0xFFFFFF60]  }
0x1f8: {  	v2 =	vld [tilespmem:s9+$0xFFFFFF60];
	_ =	sdelay $0x4  }
0x1f9: {  	v1 =	vmul.f32 v2, v1;
	_ =	sdelay $0x1  }
0x1fa: {  	[tilespmem:s12+$0xFFFFFF60] =	vst v1;
	v1 =	vld [tilespmem:s12+$0xFFFFFF70]  }
0x1fb: {  	v2 =	vld [tilespmem:s9+$0xFFFFFF70];
	_ =	sdelay $0x4  }
0x1fc: {  	v1 =	vmul.f32 v2, v1;
	_ =	sdelay $0x1  }
0x1fd: {  	[tilespmem:s12+$0xFFFFFF70] =	vst v1;
	v1 =	vld [tilespmem:s12+$0xFFFFFF80]  }
0x1fe: {  	v2 =	vld [tilespmem:s9+$0xFFFFFF80];
	_ =	sdelay $0x4  }
0x1ff: {  	v1 =	vmul.f32 v2, v1;
	_ =	sdelay $0x1  }
0x200: {  	[tilespmem:s12+$0xFFFFFF80] =	vst v1;
	v1 =	vld [tilespmem:s12+$0xFFFFFF90]  }
0x201: {  	v2 =	vld [tilespmem:s9+$0xFFFFFF90];
	_ =	sdelay $0x4  }
0x202: {  	v1 =	vmul.f32 v2, v1;
	_ =	sdelay $0x1  }
0x203: {  	[tilespmem:s12+$0xFFFFFF90] =	vst v1;
	v1 =	vld [tilespmem:s12+$0xFFFFFFA0]  }
0x204: {  	v2 =	vld [tilespmem:s9+$0xFFFFFFA0];
	_ =	sdelay $0x4  }
0x205: {  	v1 =	vmul.f32 v2, v1;
	_ =	sdelay $0x1  }
0x206: {  	[tilespmem:s12+$0xFFFFFFA0] =	vst v1;
	v1 =	vld [tilespmem:s12+$0xFFFFFFB0]  }
0x207: {  	v2 =	vld [tilespmem:s9+$0xFFFFFFB0];
	_ =	sdelay $0x4  }
0x208: {  	v1 =	vmul.f32 v2, v1;
	_ =	sdelay $0x1  }
0x209: {  	[tilespmem:s12+$0xFFFFFFB0] =	vst v1;
	v1 =	vld [tilespmem:s12+$0xFFFFFFC0]  }
0x20a: {  	v2 =	vld [tilespmem:s9+$0xFFFFFFC0];
	_ =	sdelay $0x4  }
0x20b: {  	v1 =	vmul.f32 v2, v1;
	_ =	sdelay $0x1  }
0x20c: {  	[tilespmem:s12+$0xFFFFFFC0] =	vst v1;
	v1 =	vld [tilespmem:s12+$0xFFFFFFD0]  }
0x20d: {  	v2 =	vld [tilespmem:s9+$0xFFFFFFD0];
	_ =	sdelay $0x4  }
0x20e: {  	v1 =	vmul.f32 v2, v1;
	_ =	sdelay $0x1  }
0x20f: {  	[tilespmem:s12+$0xFFFFFFD0] =	vst v1;
	v1 =	vld [tilespmem:s12+$0xFFFFFFE0]  }
0x210: {  	v2 =	vld [tilespmem:s9+$0xFFFFFFE0];
	_ =	sdelay $0x4  }
0x211: {  	v1 =	vmul.f32 v2, v1;
	_ =	sdelay $0x1  }
0x212: {  	[tilespmem:s12+$0xFFFFFFE0] =	vst v1;
	v1 =	vld [tilespmem:s12+$0xFFFFFFF0]  }
0x213: {  	v2 =	vld [tilespmem:s9+$0xFFFFFFF0];
	_ =	sdelay $0x4  }
0x214: {  	v1 =	vmul.f32 v2, v1;
	_ =	sdelay $0x1  }
0x215: {  	[tilespmem:s12+$0xFFFFFFF0] =	vst v1;
	v1 =	vld [tilespmem:s12+$0x0]  }
0x216: {  	v2 =	vld [tilespmem:s9+$0x0];
	_ =	sdelay $0x4  }
0x217: {  	v1 =	vmul.f32 v2, v1;
	_ =	sdelay $0x1  }
0x218: {  	[tilespmem:s12+$0x0] =	vst v1;
	v1 =	vld [tilespmem:s12+$0x10]  }
0x219: {  	v2 =	vld [tilespmem:s9+$0x10];
	_ =	sdelay $0x4  }
0x21a: {  	v1 =	vmul.f32 v2, v1;
	_ =	sdelay $0x1  }
0x21b: {  	[tilespmem:s12+$0x10] =	vst v1;
	v1 =	vld [tilespmem:s12+$0x20]  }
0x21c: {  	v2 =	vld [tilespmem:s9+$0x20];
	_ =	sdelay $0x4  }
0x21d: {  	v1 =	vmul.f32 v2, v1;
	_ =	sdelay $0x1  }
0x21e: {  	[tilespmem:s12+$0x20] =	vst v1;
	v1 =	vld [tilespmem:s12+$0x30]  }
0x21f: {  	v2 =	vld [tilespmem:s9+$0x30];
	_ =	sdelay $0x4  }
0x220: {  	v1 =	vmul.f32 v2, v1;
	_ =	sdelay $0x1  }
0x221: {  	[tilespmem:s12+$0x30] =	vst v1;
	v1 =	vld [tilespmem:s12+$0x40]  }
0x222: {  	v2 =	vld [tilespmem:s9+$0x40];
	_ =	sdelay $0x4  }
0x223: {  	v1 =	vmul.f32 v2, v1;
	_ =	sdelay $0x1  }
0x224: {  	[tilespmem:s12+$0x40] =	vst v1;
	v1 =	vld [tilespmem:s12+$0x50]  }
0x225: {  	v2 =	vld [tilespmem:s9+$0x50];
	_ =	sdelay $0x4  }
0x226: {  	v1 =	vmul.f32 v2, v1;
	_ =	sdelay $0x1  }
0x227: {  	[tilespmem:s12+$0x50] =	vst v1;
	v1 =	vld [tilespmem:s12+$0x60]  }
0x228: {  	v2 =	vld [tilespmem:s9+$0x60];
	_ =	sdelay $0x4  }
0x229: {  	v1 =	vmul.f32 v2, v1;
	_ =	sdelay $0x1  }
0x22a: {  	[tilespmem:s12+$0x60] =	vst v1;
	v1 =	vld [tilespmem:s12+$0x70]  }
0x22b: {  	v2 =	vld [tilespmem:s9+$0x70];
	_ =	sdelay $0x4  }
0x22c: {  	v1 =	vmul.f32 v2, v1;
	_ =	sdelay $0x1  }
0x22d: {  	[tilespmem:s12+$0x70] =	vst v1;
	v1 =	vld [tilespmem:s12+$0x80]  }
0x22e: {  	v2 =	vld [tilespmem:s9+$0x80];
	_ =	sdelay $0x4  }
0x22f: {  	v1 =	vmul.f32 v2, v1;
	_ =	sdelay $0x1  }
0x230: {  	[tilespmem:s12+$0x80] =	vst v1;
	v1 =	vld [tilespmem:s12+$0x90]  }
0x231: {  	v2 =	vld [tilespmem:s9+$0x90];
	_ =	sdelay $0x4  }
0x232: {  	v1 =	vmul.f32 v2, v1;
	_ =	sdelay $0x1  }
0x233: {  	[tilespmem:s12+$0x90] =	vst v1;
	v1 =	vld [tilespmem:s12+$0xA0]  }
0x234: {  	v2 =	vld [tilespmem:s9+$0xA0];
	_ =	sdelay $0x4  }
0x235: {  	v1 =	vmul.f32 v2, v1;
	_ =	sdelay $0x1  }
0x236: {  	[tilespmem:s12+$0xA0] =	vst v1;
	v1 =	vld [tilespmem:s12+$0xB0]  }
0x237: {  	v2 =	vld [tilespmem:s9+$0xB0];
	_ =	sdelay $0x4  }
0x238: {  	v1 =	vmul.f32 v2, v1;
	_ =	sdelay $0x1  }
0x239: {  	[tilespmem:s12+$0xB0] =	vst v1;
	v1 =	vld [tilespmem:s12+$0xC0]  }
0x23a: {  	v2 =	vld [tilespmem:s9+$0xC0];
	_ =	sdelay $0x4  }
0x23b: {  	v1 =	vmul.f32 v2, v1;
	_ =	sdelay $0x1  }
0x23c: {  	[tilespmem:s12+$0xC0] =	vst v1;
	v1 =	vld [tilespmem:s12+$0xD0]  }
0x23d: {  	v2 =	vld [tilespmem:s9+$0xD0];
	_ =	sdelay $0x4  }
0x23e: {  	v1 =	vmul.f32 v2, v1;
	_ =	sdelay $0x1  }
0x23f: {  	[tilespmem:s12+$0xD0] =	vst v1;
	v1 =	vld [tilespmem:s12+$0xE0]  }
0x240: {  	v2 =	vld [tilespmem:s9+$0xE0];
	_ =	sdelay $0x4  }
0x241: {  	v1 =	vmul.f32 v2, v1;
	_ =	sdelay $0x1  }
0x242: {  	[tilespmem:s12+$0xE0] =	vst v1;
	v1 =	vld [tilespmem:s12+$0xF0]  }
0x243: {  	v2 =	vld [tilespmem:s9+$0xF0];
	_ =	sdelay $0x1  }
.Ltmp2:
0x244: {  	(pc) =	sbr.rel @p0 .LBB2_8-.Ltmp2, $3  }
0x245: {  	_ =	sdelay $0x1  }
0x246: {  	v1 =	vmul.f32 v2, v1  }
0x247: {  	s12 =	sadd.s32 $0x200, s12  }
0x248: {  	s31 =	sadd.s32 $0x1, s31  }
0x249: {  	p0 =	sne.s32 s31, $0x8  }
.Ltmp3:
0x24a: {  	[tilespmem:s3+$0xF0] =	vst v1;
	s0 =	sadd.s32 $0x18F00, s0;
	(pc) =	sbr.rel @p0 .LBB2_5-.Ltmp3, $4  }
0x24b: {  	[spmem:s1] =	stream.indirect.scatter.add.f32 [tilespmem:s20], [sflag:$0x5], $0x20, s0, s18, $0xb8;
	[tilespmem:$0x1D700] =	vst v63  }
0x24c: {  	_ =	swait.ge [sflag:s15], $0x1000  }
0x24d: {  	[sflag:s15] =	ssyncset.done $0x0  }
0x24e: {  	[sflag:s15] =	ssyncadd.s32 $0xFFFFF000  }
0x24f: {  	s29 =	sadd.s32 $0x1, s29  }
0x250: {  	p0 =	sne.s32 s29, $0x19  }
.Ltmp4:
0x251: {  	_ = 	snop;
	(pc) =	sbr.rel @p0 .LBB2_4-.Ltmp4, $1  }
0x252: {  	_ =	sdelay $0x3  }
0x253: {  	s0 =	stileid.u32;
	[bflag:$0x0] =	sbarrier.arrive $0xFFFF  }
0x254: {  	s0 =	sshll.u32 s0, $0x6;
	s3 =	rddreg [dreg:$0x5]  }
0x255: {  	s9 =	rddreg [dreg:$0x13];
	s0 =	sor.u32 $0x1C05, s0  }
0x256: {  	[hbm:s3], [sflag:s0] =	dma.local [spmem:s9], $0x30E0  }
0x257: {  	_ =	swait.ge [sflag:s15], $0x30E0  }
0x258: {  	s26 =	sadd.s32 $0x1, s26;
	s31 =	rddreg [dreg:$0x6]  }
0x259: {  	p0 =	sne.s32 s26, s31  }
.Ltmp5:
0x25a: {  	_ = 	snop;
	(pc) =	sbr.rel @p0 .LBB2_1-.Ltmp5, $3  }
0x25b: {  	_ =	sdelay $0x1  }
0x25c: {  	[sflag:s15] =	ssyncset.done $0x0  }
0x25d: {  	[sflag:s15] =	ssyncadd.s32 $0xFFFFCF20  }
0x25e: {  	_ =	sfence.sel $0x180000  }
0x25f: {  	[bflag:$0x0] =	sbarrier.arrive $0xFFFF  }
0x260: {  	_ =	strace $0x90000047  }
0x261: {  	s0 =	stileid.u32;
	[bflag:$0x2] =	sbarrier.arrive $0xFFFF  }
0x262: {  	p0 =	sne.s32 s0, $0x0;
	s0 =	rddreg [dreg:$0x3]  }
0x263: {  	s0 =	sadd.s32 @!p0 $0x100000, s0  }
0x264: {  	[sflag:s0] =	ssyncadd.tile.s32 @!p0 $0x1;
	_ =	shalt  }
.Lfunc_end2:
_tile_overlayer_lowered:
.L_overlay_start_2:
0x265: {  	(tag) =	ssettag $0x2  }
0x266: {  	s0 =	rddreg [dreg:$0x0];
	s2 =	stileid.u32  }
0x267: {  	s1 =	rddreg [dreg:$0x1];
	p0 =	sne.s32 s2, $0x0  }
0x268: {  	s3 =	rddreg [dreg:$0x2];
	[bflag:$0x3] =	sbarrier.arrive $0xFFFF;
	s2 =	simm.s32 @!p0 $0x1C05  }
0x269: {  	[timem:s3], [sflag:s2] =	dma.local @!p0 [hbm:s0], s1  }
0x26a: {  	s0 =	simm.s32 @!p0 $0x5  }
0x26b: {  	_ =	swait.ge @!p0 [sflag:s0], s1  }
0x26c: {  	s1 =	ssub.s32 @!p0 $0x0, s1;
	[sflag:s0] =	ssyncset.done @!p0 $0x0  }
0x26d: {  	[sflag:s0] =	ssyncadd.s32 @!p0 s1  }
0x26e: {  	[bflag:$0x3] =	sbarrier.arrive $0xFFFF  }
0x26f: {  	_ =	shalt  }

</sc_bundles>
